<compile_context>
chip_gen: v7x
topology: tpu7x:2x2x1
jax: 0.10.2.dev20260603
libtpu: 0.0.44.dev20260713+nightly
codegen_flags: <defaults>
</compile_context>

<pallas_src>
import functools

import jax
import jax.numpy as jnp
from jax import lax
from jax.experimental import pallas as pl
from jax.experimental.pallas import tpu as pltpu
from jax.experimental.pallas import tpu_sc as plsc

N = 10000
D = 128
E = 320000

NC = 2
NS = 16
NW = NC * NS
B = 128
NITER = 80
PER_TILE = B * NITER
E_PAD = PER_TILE * NW
DUMMY = N
NP_ROWS = 10112
ZPT = NP_ROWS // NS
OPT = 624
OTAIL = N - NS * OPT


def _sc_scatter_body(src_hbm, dst_hbm, h_hbm, out_hbm, src_a, dst_a, src_b,
                     dst_b, rows_v, agg_s, gsem, ssem):
    c = lax.axis_index("c")
    s = lax.axis_index("s")
    w = c * NS + s

    def zrow(r, carry):
        for cc in range(8):
            rows_v[r, pl.ds(cc * 16, 16)] = jnp.zeros((16,), jnp.float32)
        return carry

    lax.fori_loop(0, B, zrow, 0)
    zbase = s * ZPT
    for k in range(4):
        pltpu.sync_copy(rows_v, agg_s.at[pl.ds(zbase + k * B, B)])
    pltpu.sync_copy(rows_v.at[pl.ds(0, ZPT - 4 * B)],
                    agg_s.at[pl.ds(zbase + 4 * B, ZPT - 4 * B)])
    plsc.subcore_barrier()

    def load_idx(j, sv, dv):
        base = w * PER_TILE + j * B
        pltpu.sync_copy(src_hbm.at[pl.ds(base, B)], sv)
        pltpu.sync_copy(dst_hbm.at[pl.ds(base, B)], dv)

    def step(j, sv, dv, sv_n, dv_n):
        pltpu.async_copy(h_hbm.at[sv], rows_v, gsem)
        load_idx(j + 1, sv_n, dv_n)
        pltpu.make_async_copy(h_hbm.at[sv], rows_v, gsem).wait()
        pltpu.async_copy(rows_v, agg_s.at[dv], ssem, add=True).wait()

    load_idx(0, src_a, dst_a)

    def pair(i, carry):
        step(2 * i, src_a, dst_a, src_b, dst_b)
        step(2 * i + 1, src_b, dst_b, src_a, dst_a)
        return carry

    lax.fori_loop(0, NITER // 2, pair, 0)
    plsc.subcore_barrier()

    obase = s * OPT
    pltpu.sync_copy(agg_s.at[pl.ds(obase, OPT)],
                    out_hbm.at[c, pl.ds(obase, OPT)])

    @pl.when(s == NS - 1)
    def _copy_tail():
        tbase = NS * OPT
        pltpu.sync_copy(agg_s.at[pl.ds(tbase, OTAIL)],
                        out_hbm.at[c, pl.ds(tbase, OTAIL)])


_sc_scatter = functools.partial(
    pl.kernel,
    out_type=jax.ShapeDtypeStruct((NC, N, D), jnp.float32),
    mesh=plsc.VectorSubcoreMesh(core_axis_name="c", subcore_axis_name="s"),
    scratch_types=[
        pltpu.VMEM((B,), jnp.int32),
        pltpu.VMEM((B,), jnp.int32),
        pltpu.VMEM((B,), jnp.int32),
        pltpu.VMEM((B,), jnp.int32),
        pltpu.VMEM((B, D), jnp.float32),
        pltpu.VMEM_SHARED((NP_ROWS, D), jnp.float32),
        pltpu.SemaphoreType.DMA,
        pltpu.SemaphoreType.DMA,
    ],
)(_sc_scatter_body)


ROWS = 1000
GRID = N // ROWS

_f32 = jnp.float32


def _dot(a, b):
    return jnp.dot(a, b, preferred_element_type=_f32)


def _tc_pre_body(x_ref, wW1, wb1, wW2, wb2, eW1, eb1, eW2, eb2,
                 weak_ref, h0_ref):
    xx = x_ref[...]
    t = jnp.maximum(_dot(xx, wW1[...]) + wb1[...], 0.0)
    weak_ref[...] = _dot(t, wW2[...]) + wb2[...]
    u = jnp.maximum(_dot(xx, eW1[...]) + eb1[...], 0.0)
    h0_ref[...] = _dot(u, eW2[...]) + eb2[...]


def _tc_conv_body(p0, p1, h, Wrel, brel, Wroot, o_ref):
    y = _dot(p0[...] + p1[...], Wrel[...]) + brel[...] + _dot(h[...], Wroot[...])
    o_ref[...] = jnp.maximum(y, 0.0)


def _tc_final_body(p0, p1, h, Wrel, brel, Wroot, weak, o_ref):
    strong = (_dot(p0[...] + p1[...], Wrel[...]) + brel[...]
              + _dot(h[...], Wroot[...]))
    wk = weak[...]
    m = jnp.max(wk, axis=-1, keepdims=True)
    ex = jnp.exp(wk - m)
    pr = ex / jnp.sum(ex, axis=-1, keepdims=True)
    mu = jnp.mean(pr, axis=-1, keepdims=True)
    var = jnp.mean((pr - mu) ** 2, axis=-1, keepdims=True)
    ent = -jnp.sum(pr * jnp.log(pr + 1e-08), axis=-1, keepdims=True)
    ent = ent / jnp.log(float(D))
    conf = jnp.clip(0.5 * (var + (1.0 - ent)), 0.0, 1.0)
    o_ref[...] = conf * wk + (1.0 - conf) * strong


_row_spec = pl.BlockSpec((ROWS, D), lambda i: (i, 0))
_mat_spec = pl.BlockSpec((D, D), lambda i: (0, 0))
_vec_spec = pl.BlockSpec((1, D), lambda i: (0, 0))
_out_row = jax.ShapeDtypeStruct((N, D), _f32)

_tc_pre = pl.pallas_call(
    _tc_pre_body,
    grid=(GRID,),
    in_specs=[_row_spec] + [_mat_spec, _vec_spec] * 4,
    out_specs=(_row_spec, _row_spec),
    out_shape=(_out_row, _out_row),
)

_tc_conv = pl.pallas_call(
    _tc_conv_body,
    grid=(GRID,),
    in_specs=[_row_spec, _row_spec, _row_spec, _mat_spec, _vec_spec, _mat_spec],
    out_specs=_row_spec,
    out_shape=_out_row,
)

_tc_final = pl.pallas_call(
    _tc_final_body,
    grid=(GRID,),
    in_specs=[_row_spec, _row_spec, _row_spec, _mat_spec, _vec_spec, _mat_spec,
              _row_spec],
    out_specs=_row_spec,
    out_shape=_out_row,
)


def kernel(x, edge_index, weak_W1, weak_b1, weak_W2, weak_b2, enc_W1, enc_b1,
           enc_W2, enc_b2, start_Wrel, start_brel, start_Wroot, mid_Wrel,
           mid_brel, mid_Wroot, end_Wrel, end_brel, end_Wroot):
    pad = E_PAD - E
    pad_dst = DUMMY + jnp.arange(pad, dtype=jnp.int32) % (NP_ROWS - N)
    src = jnp.concatenate([edge_index[0], jnp.zeros((pad,), jnp.int32)])
    dst = jnp.concatenate([edge_index[1], pad_dst])
    src = jnp.concatenate([src, jnp.zeros((B,), jnp.int32)])
    dst = jnp.concatenate([dst, jnp.zeros((B,), jnp.int32)])

    b = lambda v: v.reshape(1, D)

    weak_out, h0 = _tc_pre(x, weak_W1, b(weak_b1), weak_W2, b(weak_b2),
                           enc_W1, b(enc_b1), enc_W2, b(enc_b2))

    def agg_parts(h):
        parts = _sc_scatter(src, dst, h)
        return parts[0], parts[1]

    p0, p1 = agg_parts(h0)
    h1 = _tc_conv(p0, p1, h0, start_Wrel, b(start_brel), start_Wroot)
    p0, p1 = agg_parts(h1)
    h2 = _tc_conv(p0, p1, h1, mid_Wrel, b(mid_brel), mid_Wroot)
    p0, p1 = agg_parts(h2)
    return _tc_final(p0, p1, h2, end_Wrel, b(end_brel), end_Wroot, weak_out)

# --- scband reference (transcript-rebuilt; emitter-appended) ---
"""Pipeline reference for scband-mowst-style-mo-e-67783173865961 (READ-ONLY COPY).

The authoritative reference and input builder live on the scoring server;
editing this copy changes nothing except your own understanding.
"""

import jax, jax.numpy as jnp
import numpy as np

N = 10000
E = 320000
D = 128
H = 128
O = 128

def _init_linear(key, fan_in, fan_out):
    k1, k2 = jax.random.split(key)
    bound = 1.0 / np.sqrt(fan_in)
    W = jax.random.uniform(k1, (fan_in, fan_out), minval=-bound, maxval=bound, dtype=jnp.float32)
    b = jax.random.uniform(k2, (fan_out,), minval=-bound, maxval=bound, dtype=jnp.float32)
    return W, b

def setup_inputs(seed: int = 0):
    key = jax.random.key(seed)
    ks = jax.random.split(key, 12)
    inp = {}
    inp["x"] = jax.random.normal(ks[0], (N, D), dtype=jnp.float32)
    inp["edge_index"] = jax.random.randint(ks[1], (2, E), 0, N, dtype=jnp.int32)
    inp["weak_W1"], inp["weak_b1"] = _init_linear(ks[2], D, H)
    inp["weak_W2"], inp["weak_b2"] = _init_linear(ks[3], H, O)
    inp["enc_W1"], inp["enc_b1"] = _init_linear(ks[4], D, H)
    inp["enc_W2"], inp["enc_b2"] = _init_linear(ks[5], H, H)
    inp["start_Wrel"], inp["start_brel"] = _init_linear(ks[6], H, H)
    inp["start_Wroot"], _ = _init_linear(ks[7], H, H)
    inp["mid_Wrel"], inp["mid_brel"] = _init_linear(ks[8], H, H)
    inp["mid_Wroot"], _ = _init_linear(ks[9], H, H)
    inp["end_Wrel"], inp["end_brel"] = _init_linear(ks[10], H, O)
    inp["end_Wroot"], _ = _init_linear(ks[11], H, O)
    return inp

def _graph_conv(x, src, dst, Wrel, brel, Wroot):
    # PyG GraphConv (aggr='add'): out = lin_rel(sum_{j in N(i)} x_j) + lin_root(x_i)
    agg = jnp.zeros_like(x).at[dst].add(x[src])
    return agg @ Wrel + brel + x @ Wroot

def reference(x, edge_index, weak_W1, weak_b1, weak_W2, weak_b2, enc_W1, enc_b1, enc_W2, enc_b2, start_Wrel, start_brel, start_Wroot, mid_Wrel, mid_brel, mid_Wroot, end_Wrel, end_brel, end_Wroot):
    src, dst = edge_index[0], edge_index[1]
    # weak expert: MLP
    weak_out = jax.nn.relu(x @ weak_W1 + weak_b1) @ weak_W2 + weak_b2
    # strong expert: encoder MLP + 3-layer GraphConv tower
    h = jax.nn.relu(x @ enc_W1 + enc_b1) @ enc_W2 + enc_b2
    h = jax.nn.relu(_graph_conv(h, src, dst, start_Wrel, start_brel, start_Wroot))
    h = jax.nn.relu(_graph_conv(h, src, dst, mid_Wrel, mid_brel, mid_Wroot))
    strong_out = _graph_conv(h, src, dst, end_Wrel, end_brel, end_Wroot)
    # dispersion-based confidence
    probs = jax.nn.softmax(weak_out, axis=-1)
    var = jnp.var(probs, axis=-1)
    ent = -jnp.sum(probs * jnp.log(probs + 1e-08), axis=-1)
    ent = ent / jnp.log(float(probs.shape[-1]))
    conf = jnp.clip(0.5 * (var + (1.0 - ent)), 0.0, 1.0)
    out = conf[:, None] * weak_out + (1.0 - conf[:, None]) * strong_out
    return out

if __name__ == "__main__":
    import jax
    _d = setup_inputs()
    print(jax.jit(kernel)(*tuple(_d.values())))

</pallas_src>

<mosaic_0001>
#map = affine_map<(d0, d1) -> (0)>
#map1 = affine_map<(d0, d1) -> (0, 0)>
#map2 = affine_map<(d0, d1) -> (0, 0, 0)>
module attributes {stable_mosaic.version = 14 : i64} {
  func.func @_sc_scatter_body(%arg0: i32, %arg1: i32, %arg2: memref<327808xi32, #tpu.memory_space<hbm>>, %arg3: memref<327808xi32, #tpu.memory_space<hbm>>, %arg4: memref<10000x128xf32, #tpu.memory_space<hbm>>, %arg5: memref<2x10000x128xf32, #tpu.memory_space<hbm>>, %arg6: memref<128xi32, #tpu.memory_space<vmem>>, %arg7: memref<128xi32, #tpu.memory_space<vmem>>, %arg8: memref<128xi32, #tpu.memory_space<vmem>>, %arg9: memref<128xi32, #tpu.memory_space<vmem>>, %arg10: memref<128x128xf32, #tpu.memory_space<vmem>>, %arg11: memref<10112x128xf32, #tpu.memory_space<vmem_shared>>, %arg12: memref<!tpu.dma_semaphore, #tpu.memory_space<semaphore_mem>>, %arg13: memref<!tpu.dma_semaphore, #tpu.memory_space<semaphore_mem>>) attributes {dimension_semantics = [#tpu.dimension_semantics<core_parallel>, #tpu.dimension_semantics<subcore_parallel>], iteration_bounds = array<i64: 2, 16>, scalar_prefetch = 0 : i64, scratch_operands = 8 : i64, tpu.core_type = #tpu.core_type<sc_vector_subcore>, window_params = [{transform_indices = #map}, {transform_indices = #map}, {transform_indices = #map1}, {transform_indices = #map2}]} {
    %mul3A = arith.constant 16 : i32
    %mul3A_0 = arith.muli %arg0, %mul3A : i32
    %add3A = arith.addi %mul3A_0, %arg1 : i32
    %scan3A = arith.constant 0 : i32
    %scan3A_1 = arith.constant 0 : i32
    %scan3A_2 = arith.constant 128 : i32
    %scan3A_3 = arith.addi %scan3A_1, %scan3A_2 : i32
    %scan3A_4 = arith.constant 1 : i32
    scf.for %scan3A_33 = %scan3A_1 to %scan3A_3 step %scan3A_4  : i32 {
      %broadcast_in_dim3A = arith.constant 0.000000e+00 : f32
      %broadcast_in_dim3A_34 = vector.broadcast %broadcast_in_dim3A : f32 to vector<16xf32>
      %swap3A = arith.index_cast %scan3A_33 : i32 to index
      %swap3A_35 = arith.constant 0 : index
      %swap3A_36 = tpu.vector_load %arg10[%swap3A, %swap3A_35] {strides = array<i32>} : memref<128x128xf32, #tpu.memory_space<vmem>>, vector<1x16xf32>,
      %swap3A_37 = vector.shape_cast %swap3A_36 : vector<1x16xf32> to vector<16xf32>
      %swap3A_38 = vector.shape_cast %broadcast_in_dim3A_34 : vector<16xf32> to vector<1x16xf32>
      tpu.vector_store %arg10[%swap3A, %swap3A_35], %swap3A_38 {strides = array<i32>} : memref<128x128xf32, #tpu.memory_space<vmem>>, vector<1x16xf32>,
      %broadcast_in_dim3A_39 = arith.constant 0.000000e+00 : f32
      %broadcast_in_dim3A_40 = vector.broadcast %broadcast_in_dim3A_39 : f32 to vector<16xf32>
      %swap3A_41 = arith.index_cast %scan3A_33 : i32 to index
      %swap3A_42 = arith.constant 16 : index
      %swap3A_43 = tpu.vector_load %arg10[%swap3A_41, %swap3A_42] {strides = array<i32>} : memref<128x128xf32, #tpu.memory_space<vmem>>, vector<1x16xf32>,
      %swap3A_44 = vector.shape_cast %swap3A_43 : vector<1x16xf32> to vector<16xf32>
      %swap3A_45 = vector.shape_cast %broadcast_in_dim3A_40 : vector<16xf32> to vector<1x16xf32>
      tpu.vector_store %arg10[%swap3A_41, %swap3A_42], %swap3A_45 {strides = array<i32>} : memref<128x128xf32, #tpu.memory_space<vmem>>, vector<1x16xf32>,
      %broadcast_in_dim3A_46 = arith.constant 0.000000e+00 : f32
      %broadcast_in_dim3A_47 = vector.broadcast %broadcast_in_dim3A_46 : f32 to vector<16xf32>
      %swap3A_48 = arith.index_cast %scan3A_33 : i32 to index
      %swap3A_49 = arith.constant 32 : index
      %swap3A_50 = tpu.vector_load %arg10[%swap3A_48, %swap3A_49] {strides = array<i32>} : memref<128x128xf32, #tpu.memory_space<vmem>>, vector<1x16xf32>,
      %swap3A_51 = vector.shape_cast %swap3A_50 : vector<1x16xf32> to vector<16xf32>
      %swap3A_52 = vector.shape_cast %broadcast_in_dim3A_47 : vector<16xf32> to vector<1x16xf32>
      tpu.vector_store %arg10[%swap3A_48, %swap3A_49], %swap3A_52 {strides = array<i32>} : memref<128x128xf32, #tpu.memory_space<vmem>>, vector<1x16xf32>,
      %broadcast_in_dim3A_53 = arith.constant 0.000000e+00 : f32
      %broadcast_in_dim3A_54 = vector.broadcast %broadcast_in_dim3A_53 : f32 to vector<16xf32>
      %swap3A_55 = arith.index_cast %scan3A_33 : i32 to index
      %swap3A_56 = arith.constant 48 : index
      %swap3A_57 = tpu.vector_load %arg10[%swap3A_55, %swap3A_56] {strides = array<i32>} : memref<128x128xf32, #tpu.memory_space<vmem>>, vector<1x16xf32>,
      %swap3A_58 = vector.shape_cast %swap3A_57 : vector<1x16xf32> to vector<16xf32>
      %swap3A_59 = vector.shape_cast %broadcast_in_dim3A_54 : vector<16xf32> to vector<1x16xf32>
      tpu.vector_store %arg10[%swap3A_55, %swap3A_56], %swap3A_59 {strides = array<i32>} : memref<128x128xf32, #tpu.memory_space<vmem>>, vector<1x16xf32>,
      %broadcast_in_dim3A_60 = arith.constant 0.000000e+00 : f32
      %broadcast_in_dim3A_61 = vector.broadcast %broadcast_in_dim3A_60 : f32 to vector<16xf32>
      %swap3A_62 = arith.index_cast %scan3A_33 : i32 to index
      %swap3A_63 = arith.constant 64 : index
      %swap3A_64 = tpu.vector_load %arg10[%swap3A_62, %swap3A_63] {strides = array<i32>} : memref<128x128xf32, #tpu.memory_space<vmem>>, vector<1x16xf32>,
      %swap3A_65 = vector.shape_cast %swap3A_64 : vector<1x16xf32> to vector<16xf32>
      %swap3A_66 = vector.shape_cast %broadcast_in_dim3A_61 : vector<16xf32> to vector<1x16xf32>
      tpu.vector_store %arg10[%swap3A_62, %swap3A_63], %swap3A_66 {strides = array<i32>} : memref<128x128xf32, #tpu.memory_space<vmem>>, vector<1x16xf32>,
      %broadcast_in_dim3A_67 = arith.constant 0.000000e+00 : f32
      %broadcast_in_dim3A_68 = vector.broadcast %broadcast_in_dim3A_67 : f32 to vector<16xf32>
      %swap3A_69 = arith.index_cast %scan3A_33 : i32 to index
      %swap3A_70 = arith.constant 80 : index
      %swap3A_71 = tpu.vector_load %arg10[%swap3A_69, %swap3A_70] {strides = array<i32>} : memref<128x128xf32, #tpu.memory_space<vmem>>, vector<1x16xf32>,
      %swap3A_72 = vector.shape_cast %swap3A_71 : vector<1x16xf32> to vector<16xf32>
      %swap3A_73 = vector.shape_cast %broadcast_in_dim3A_68 : vector<16xf32> to vector<1x16xf32>
      tpu.vector_store %arg10[%swap3A_69, %swap3A_70], %swap3A_73 {strides = array<i32>} : memref<128x128xf32, #tpu.memory_space<vmem>>, vector<1x16xf32>,
      %broadcast_in_dim3A_74 = arith.constant 0.000000e+00 : f32
      %broadcast_in_dim3A_75 = vector.broadcast %broadcast_in_dim3A_74 : f32 to vector<16xf32>
      %swap3A_76 = arith.index_cast %scan3A_33 : i32 to index
      %swap3A_77 = arith.constant 96 : index
      %swap3A_78 = tpu.vector_load %arg10[%swap3A_76, %swap3A_77] {strides = array<i32>} : memref<128x128xf32, #tpu.memory_space<vmem>>, vector<1x16xf32>,
      %swap3A_79 = vector.shape_cast %swap3A_78 : vector<1x16xf32> to vector<16xf32>
      %swap3A_80 = vector.shape_cast %broadcast_in_dim3A_75 : vector<16xf32> to vector<1x16xf32>
      tpu.vector_store %arg10[%swap3A_76, %swap3A_77], %swap3A_80 {strides = array<i32>} : memref<128x128xf32, #tpu.memory_space<vmem>>, vector<1x16xf32>,
      %broadcast_in_dim3A_81 = arith.constant 0.000000e+00 : f32
      %broadcast_in_dim3A_82 = vector.broadcast %broadcast_in_dim3A_81 : f32 to vector<16xf32>
      %swap3A_83 = arith.index_cast %scan3A_33 : i32 to index
      %swap3A_84 = arith.constant 112 : index
      %swap3A_85 = tpu.vector_load %arg10[%swap3A_83, %swap3A_84] {strides = array<i32>} : memref<128x128xf32, #tpu.memory_space<vmem>>, vector<1x16xf32>,
      %swap3A_86 = vector.shape_cast %swap3A_85 : vector<1x16xf32> to vector<16xf32>
      %swap3A_87 = vector.shape_cast %broadcast_in_dim3A_82 : vector<16xf32> to vector<1x16xf32>
      tpu.vector_store %arg10[%swap3A_83, %swap3A_84], %swap3A_87 {strides = array<i32>} : memref<128x128xf32, #tpu.memory_space<vmem>>, vector<1x16xf32>,
    }
    %scan3A_5 = arith.constant 128 : i32
    %mul3A_6 = arith.constant 632 : i32
    %mul3A_7 = arith.muli %arg1, %mul3A_6 : i32
    %add3A_8 = arith.constant 0 : i32
    %add3A_9 = arith.addi %mul3A_7, %add3A_8 : i32
    "tpu.region"() ({
      %run_scoped3A = tpu.sem_alloc : memref<!tpu.dma_semaphore, #tpu.memory_space<semaphore_mem>>
      %dma_start3A = arith.constant 0 : i32
      %dma_start3A_33 = tpu.memref_slice %arg11[%add3A_9, %dma_start3A] : memref<10112x128xf32, #tpu.memory_space<vmem_shared>> -> memref<128x128xf32, #tpu.memory_space<vmem_shared>>
      %dma_start3A_34 = arith.constant 0 : i32
      %dma_start3A_35 = tpu.memref_slice %arg11[%add3A_9, %dma_start3A_34] : memref<10112x128xf32, #tpu.memory_space<vmem_shared>> -> memref<128x128xf32, #tpu.memory_space<vmem_shared>>
      tpu.enqueue_dma source(%arg10 : memref<128x128xf32, #tpu.memory_space<vmem>>) target(%dma_start3A_35 : memref<128x128xf32, #tpu.memory_space<vmem_shared>>) target_semaphore(%run_scoped3A : memref<!tpu.dma_semaphore, #tpu.memory_space<semaphore_mem>>)
      %dma_wait3A = arith.constant 0 : i32
      %dma_wait3A_36 = tpu.memref_slice %arg11[%add3A_9, %dma_wait3A] : memref<10112x128xf32, #tpu.memory_space<vmem_shared>> -> memref<128x128xf32, #tpu.memory_space<vmem_shared>>
      %dma_wait3A_37 = arith.constant 0 : i32
      %dma_wait3A_38 = tpu.memref_slice %arg11[%add3A_9, %dma_wait3A_37] : memref<10112x128xf32, #tpu.memory_space<vmem_shared>> -> memref<128x128xf32, #tpu.memory_space<vmem_shared>>
      tpu.wait_dma2 semaphore(%run_scoped3A : memref<!tpu.dma_semaphore, #tpu.memory_space<semaphore_mem>>) src(%arg10 : memref<128x128xf32, #tpu.memory_space<vmem>>) dst(%dma_wait3A_38 : memref<128x128xf32, #tpu.memory_space<vmem_shared>>)
      tpu.yield
    }) : () -> ()
    %add3A_10 = arith.constant 128 : i32
    %add3A_11 = arith.addi %mul3A_7, %add3A_10 : i32
    "tpu.region"() ({
      %run_scoped3A = tpu.sem_alloc : memref<!tpu.dma_semaphore, #tpu.memory_space<semaphore_mem>>
      %dma_start3A = arith.constant 0 : i32
      %dma_start3A_33 = tpu.memref_slice %arg11[%add3A_11, %dma_start3A] : memref<10112x128xf32, #tpu.memory_space<vmem_shared>> -> memref<128x128xf32, #tpu.memory_space<vmem_shared>>
      %dma_start3A_34 = arith.constant 0 : i32
      %dma_start3A_35 = tpu.memref_slice %arg11[%add3A_11, %dma_start3A_34] : memref<10112x128xf32, #tpu.memory_space<vmem_shared>> -> memref<128x128xf32, #tpu.memory_space<vmem_shared>>
      tpu.enqueue_dma source(%arg10 : memref<128x128xf32, #tpu.memory_space<vmem>>) target(%dma_start3A_35 : memref<128x128xf32, #tpu.memory_space<vmem_shared>>) target_semaphore(%run_scoped3A : memref<!tpu.dma_semaphore, #tpu.memory_space<semaphore_mem>>)
      %dma_wait3A = arith.constant 0 : i32
      %dma_wait3A_36 = tpu.memref_slice %arg11[%add3A_11, %dma_wait3A] : memref<10112x128xf32, #tpu.memory_space<vmem_shared>> -> memref<128x128xf32, #tpu.memory_space<vmem_shared>>
      %dma_wait3A_37 = arith.constant 0 : i32
      %dma_wait3A_38 = tpu.memref_slice %arg11[%add3A_11, %dma_wait3A_37] : memref<10112x128xf32, #tpu.memory_space<vmem_shared>> -> memref<128x128xf32, #tpu.memory_space<vmem_shared>>
      tpu.wait_dma2 semaphore(%run_scoped3A : memref<!tpu.dma_semaphore, #tpu.memory_space<semaphore_mem>>) src(%arg10 : memref<128x128xf32, #tpu.memory_space<vmem>>) dst(%dma_wait3A_38 : memref<128x128xf32, #tpu.memory_space<vmem_shared>>)
      tpu.yield
    }) : () -> ()
    %add3A_12 = arith.constant 256 : i32
    %add3A_13 = arith.addi %mul3A_7, %add3A_12 : i32
    "tpu.region"() ({
      %run_scoped3A = tpu.sem_alloc : memref<!tpu.dma_semaphore, #tpu.memory_space<semaphore_mem>>
      %dma_start3A = arith.constant 0 : i32
      %dma_start3A_33 = tpu.memref_slice %arg11[%add3A_13, %dma_start3A] : memref<10112x128xf32, #tpu.memory_space<vmem_shared>> -> memref<128x128xf32, #tpu.memory_space<vmem_shared>>
      %dma_start3A_34 = arith.constant 0 : i32
      %dma_start3A_35 = tpu.memref_slice %arg11[%add3A_13, %dma_start3A_34] : memref<10112x128xf32, #tpu.memory_space<vmem_shared>> -> memref<128x128xf32, #tpu.memory_space<vmem_shared>>
      tpu.enqueue_dma source(%arg10 : memref<128x128xf32, #tpu.memory_space<vmem>>) target(%dma_start3A_35 : memref<128x128xf32, #tpu.memory_space<vmem_shared>>) target_semaphore(%run_scoped3A : memref<!tpu.dma_semaphore, #tpu.memory_space<semaphore_mem>>)
      %dma_wait3A = arith.constant 0 : i32
      %dma_wait3A_36 = tpu.memref_slice %arg11[%add3A_13, %dma_wait3A] : memref<10112x128xf32, #tpu.memory_space<vmem_shared>> -> memref<128x128xf32, #tpu.memory_space<vmem_shared>>
      %dma_wait3A_37 = arith.constant 0 : i32
      %dma_wait3A_38 = tpu.memref_slice %arg11[%add3A_13, %dma_wait3A_37] : memref<10112x128xf32, #tpu.memory_space<vmem_shared>> -> memref<128x128xf32, #tpu.memory_space<vmem_shared>>
      tpu.wait_dma2 semaphore(%run_scoped3A : memref<!tpu.dma_semaphore, #tpu.memory_space<semaphore_mem>>) src(%arg10 : memref<128x128xf32, #tpu.memory_space<vmem>>) dst(%dma_wait3A_38 : memref<128x128xf32, #tpu.memory_space<vmem_shared>>)
      tpu.yield
    }) : () -> ()
    %add3A_14 = arith.constant 384 : i32
    %add3A_15 = arith.addi %mul3A_7, %add3A_14 : i32
    "tpu.region"() ({
      %run_scoped3A = tpu.sem_alloc : memref<!tpu.dma_semaphore, #tpu.memory_space<semaphore_mem>>
      %dma_start3A = arith.constant 0 : i32
      %dma_start3A_33 = tpu.memref_slice %arg11[%add3A_15, %dma_start3A] : memref<10112x128xf32, #tpu.memory_space<vmem_shared>> -> memref<128x128xf32, #tpu.memory_space<vmem_shared>>
      %dma_start3A_34 = arith.constant 0 : i32
      %dma_start3A_35 = tpu.memref_slice %arg11[%add3A_15, %dma_start3A_34] : memref<10112x128xf32, #tpu.memory_space<vmem_shared>> -> memref<128x128xf32, #tpu.memory_space<vmem_shared>>
      tpu.enqueue_dma source(%arg10 : memref<128x128xf32, #tpu.memory_space<vmem>>) target(%dma_start3A_35 : memref<128x128xf32, #tpu.memory_space<vmem_shared>>) target_semaphore(%run_scoped3A : memref<!tpu.dma_semaphore, #tpu.memory_space<semaphore_mem>>)
      %dma_wait3A = arith.constant 0 : i32
      %dma_wait3A_36 = tpu.memref_slice %arg11[%add3A_15, %dma_wait3A] : memref<10112x128xf32, #tpu.memory_space<vmem_shared>> -> memref<128x128xf32, #tpu.memory_space<vmem_shared>>
      %dma_wait3A_37 = arith.constant 0 : i32
      %dma_wait3A_38 = tpu.memref_slice %arg11[%add3A_15, %dma_wait3A_37] : memref<10112x128xf32, #tpu.memory_space<vmem_shared>> -> memref<128x128xf32, #tpu.memory_space<vmem_shared>>
      tpu.wait_dma2 semaphore(%run_scoped3A : memref<!tpu.dma_semaphore, #tpu.memory_space<semaphore_mem>>) src(%arg10 : memref<128x128xf32, #tpu.memory_space<vmem>>) dst(%dma_wait3A_38 : memref<128x128xf32, #tpu.memory_space<vmem_shared>>)
      tpu.yield
    }) : () -> ()
    %add3A_16 = arith.constant 512 : i32
    %add3A_17 = arith.addi %mul3A_7, %add3A_16 : i32
    "tpu.region"() ({
      %run_scoped3A = tpu.sem_alloc : memref<!tpu.dma_semaphore, #tpu.memory_space<semaphore_mem>>
      %dma_start3A = arith.constant 0 : i32
      %dma_start3A_33 = arith.constant 0 : i32
      %dma_start3A_34 = tpu.memref_slice %arg10[%dma_start3A, %dma_start3A_33] : memref<128x128xf32, #tpu.memory_space<vmem>> -> memref<120x128xf32, #tpu.memory_space<vmem>>
      %dma_start3A_35 = arith.constant 0 : i32
      %dma_start3A_36 = tpu.memref_slice %arg11[%add3A_17, %dma_start3A_35] : memref<10112x128xf32, #tpu.memory_space<vmem_shared>> -> memref<120x128xf32, #tpu.memory_space<vmem_shared>>
      %dma_start3A_37 = arith.constant 0 : i32
      %dma_start3A_38 = tpu.memref_slice %arg11[%add3A_17, %dma_start3A_37] : memref<10112x128xf32, #tpu.memory_space<vmem_shared>> -> memref<120x128xf32, #tpu.memory_space<vmem_shared>>
      %dma_start3A_39 = arith.constant 0 : i32
      %dma_start3A_40 = arith.constant 0 : i32
      %dma_start3A_41 = tpu.memref_slice %arg10[%dma_start3A_39, %dma_start3A_40] : memref<128x128xf32, #tpu.memory_space<vmem>> -> memref<120x128xf32, #tpu.memory_space<vmem>>
      tpu.enqueue_dma source(%dma_start3A_41 : memref<120x128xf32, #tpu.memory_space<vmem>>) target(%dma_start3A_38 : memref<120x128xf32, #tpu.memory_space<vmem_shared>>) target_semaphore(%run_scoped3A : memref<!tpu.dma_semaphore, #tpu.memory_space<semaphore_mem>>)
      %dma_wait3A = arith.constant 0 : i32
      %dma_wait3A_42 = arith.constant 0 : i32
      %dma_wait3A_43 = tpu.memref_slice %arg10[%dma_wait3A, %dma_wait3A_42] : memref<128x128xf32, #tpu.memory_space<vmem>> -> memref<120x128xf32, #tpu.memory_space<vmem>>
      %dma_wait3A_44 = arith.constant 0 : i32
      %dma_wait3A_45 = tpu.memref_slice %arg11[%add3A_17, %dma_wait3A_44] : memref<10112x128xf32, #tpu.memory_space<vmem_shared>> -> memref<120x128xf32, #tpu.memory_space<vmem_shared>>
      %dma_wait3A_46 = arith.constant 0 : i32
      %dma_wait3A_47 = tpu.memref_slice %arg11[%add3A_17, %dma_wait3A_46] : memref<10112x128xf32, #tpu.memory_space<vmem_shared>> -> memref<120x128xf32, #tpu.memory_space<vmem_shared>>
      %dma_wait3A_48 = arith.constant 0 : i32
      %dma_wait3A_49 = arith.constant 0 : i32
      %dma_wait3A_50 = tpu.memref_slice %arg10[%dma_wait3A_48, %dma_wait3A_49] : memref<128x128xf32, #tpu.memory_space<vmem>> -> memref<120x128xf32, #tpu.memory_space<vmem>>
      tpu.wait_dma2 semaphore(%run_scoped3A : memref<!tpu.dma_semaphore, #tpu.memory_space<semaphore_mem>>) src(%dma_wait3A_50 : memref<120x128xf32, #tpu.memory_space<vmem>>) dst(%dma_wait3A_47 : memref<120x128xf32, #tpu.memory_space<vmem_shared>>)
      tpu.yield
    }) : () -> ()
    %barrier3A = arith.constant 0 : index
    tpu.barrier barrier_id(%barrier3A)
    %mul3A_18 = arith.constant 10240 : i32
    %mul3A_19 = arith.muli %add3A, %mul3A_18 : i32
    %add3A_20 = arith.constant 0 : i32
    %add3A_21 = arith.addi %mul3A_19, %add3A_20 : i32
    "tpu.region"() ({
      %run_scoped3A = tpu.sem_alloc : memref<!tpu.dma_semaphore, #tpu.memory_space<semaphore_mem>>
      %dma_start3A = tpu.memref_slice %arg2[%add3A_21] : memref<327808xi32, #tpu.memory_space<hbm>> -> memref<128xi32, #tpu.memory_space<hbm>>
      %dma_start3A_33 = tpu.memref_slice %arg2[%add3A_21] : memref<327808xi32, #tpu.memory_space<hbm>> -> memref<128xi32, #tpu.memory_space<hbm>>
      tpu.enqueue_dma source(%dma_start3A_33 : memref<128xi32, #tpu.memory_space<hbm>>) target(%arg6 : memref<128xi32, #tpu.memory_space<vmem>>) target_semaphore(%run_scoped3A : memref<!tpu.dma_semaphore, #tpu.memory_space<semaphore_mem>>)
      %dma_wait3A = tpu.memref_slice %arg2[%add3A_21] : memref<327808xi32, #tpu.memory_space<hbm>> -> memref<128xi32, #tpu.memory_space<hbm>>
      %dma_wait3A_34 = tpu.memref_slice %arg2[%add3A_21] : memref<327808xi32, #tpu.memory_space<hbm>> -> memref<128xi32, #tpu.memory_space<hbm>>
      tpu.wait_dma2 semaphore(%run_scoped3A : memref<!tpu.dma_semaphore, #tpu.memory_space<semaphore_mem>>) src(%dma_wait3A_34 : memref<128xi32, #tpu.memory_space<hbm>>) dst(%arg6 : memref<128xi32, #tpu.memory_space<vmem>>)
      tpu.yield
    }) : () -> ()
    "tpu.region"() ({
      %run_scoped3A = tpu.sem_alloc : memref<!tpu.dma_semaphore, #tpu.memory_space<semaphore_mem>>
      %dma_start3A = tpu.memref_slice %arg3[%add3A_21] : memref<327808xi32, #tpu.memory_space<hbm>> -> memref<128xi32, #tpu.memory_space<hbm>>
      %dma_start3A_33 = tpu.memref_slice %arg3[%add3A_21] : memref<327808xi32, #tpu.memory_space<hbm>> -> memref<128xi32, #tpu.memory_space<hbm>>
      tpu.enqueue_dma source(%dma_start3A_33 : memref<128xi32, #tpu.memory_space<hbm>>) target(%arg7 : memref<128xi32, #tpu.memory_space<vmem>>) target_semaphore(%run_scoped3A : memref<!tpu.dma_semaphore, #tpu.memory_space<semaphore_mem>>)
      %dma_wait3A = tpu.memref_slice %arg3[%add3A_21] : memref<327808xi32, #tpu.memory_space<hbm>> -> memref<128xi32, #tpu.memory_space<hbm>>
      %dma_wait3A_34 = tpu.memref_slice %arg3[%add3A_21] : memref<327808xi32, #tpu.memory_space<hbm>> -> memref<128xi32, #tpu.memory_space<hbm>>
      tpu.wait_dma2 semaphore(%run_scoped3A : memref<!tpu.dma_semaphore, #tpu.memory_space<semaphore_mem>>) src(%dma_wait3A_34 : memref<128xi32, #tpu.memory_space<hbm>>) dst(%arg7 : memref<128xi32, #tpu.memory_space<vmem>>)
      tpu.yield
    }) : () -> ()
    %scan3A_22 = arith.constant 0 : i32
    %scan3A_23 = arith.constant 0 : i32
    %scan3A_24 = arith.constant 40 : i32
    %scan3A_25 = arith.addi %scan3A_23, %scan3A_24 : i32
    %scan3A_26 = arith.constant 1 : i32
    scf.for %scan3A_33 = %scan3A_23 to %scan3A_25 step %scan3A_26  : i32 {
      %mul3A_34 = arith.constant 2 : i32
      %mul3A_35 = arith.muli %mul3A_34, %scan3A_33 : i32
      %dma_start3A = arith.constant 0 : i32
      %dma_start3A_36 = arith.constant 0 : i32
      %dma_start3A_37 = tpu.memref_slice %arg4[%dma_start3A, %dma_start3A_36] : memref<10000x128xf32, #tpu.memory_space<hbm>> -> memref<10000x128xf32, #tpu.memory_space<hbm>>
      tpu.enqueue_indirect_dma source(%dma_start3A_37 : memref<10000x128xf32, #tpu.memory_space<hbm>>) target(%arg10 : memref<128x128xf32, #tpu.memory_space<vmem>>) offsets(%arg6 : memref<128xi32, #tpu.memory_space<vmem>>) semaphore(%arg12 : memref<!tpu.dma_semaphore, #tpu.memory_space<semaphore_mem>>)
      %add3A_38 = arith.constant 1 : i32
      %add3A_39 = arith.addi %mul3A_35, %add3A_38 : i32
      %mul3A_40 = arith.constant 10240 : i32
      %mul3A_41 = arith.muli %add3A, %mul3A_40 : i32
      %mul3A_42 = arith.constant 128 : i32
      %mul3A_43 = arith.muli %add3A_39, %mul3A_42 : i32
      %add3A_44 = arith.addi %mul3A_41, %mul3A_43 : i32
      "tpu.region"() ({
        %run_scoped3A = tpu.sem_alloc : memref<!tpu.dma_semaphore, #tpu.memory_space<semaphore_mem>>
        %dma_start3A_76 = tpu.memref_slice %arg2[%add3A_44] : memref<327808xi32, #tpu.memory_space<hbm>> -> memref<128xi32, #tpu.memory_space<hbm>>
        %dma_start3A_77 = tpu.memref_slice %arg2[%add3A_44] : memref<327808xi32, #tpu.memory_space<hbm>> -> memref<128xi32, #tpu.memory_space<hbm>>
        tpu.enqueue_dma source(%dma_start3A_77 : memref<128xi32, #tpu.memory_space<hbm>>) target(%arg8 : memref<128xi32, #tpu.memory_space<vmem>>) target_semaphore(%run_scoped3A : memref<!tpu.dma_semaphore, #tpu.memory_space<semaphore_mem>>)
        %dma_wait3A_78 = tpu.memref_slice %arg2[%add3A_44] : memref<327808xi32, #tpu.memory_space<hbm>> -> memref<128xi32, #tpu.memory_space<hbm>>
        %dma_wait3A_79 = tpu.memref_slice %arg2[%add3A_44] : memref<327808xi32, #tpu.memory_space<hbm>> -> memref<128xi32, #tpu.memory_space<hbm>>
        tpu.wait_dma2 semaphore(%run_scoped3A : memref<!tpu.dma_semaphore, #tpu.memory_space<semaphore_mem>>) src(%dma_wait3A_79 : memref<128xi32, #tpu.memory_space<hbm>>) dst(%arg8 : memref<128xi32, #tpu.memory_space<vmem>>)
        tpu.yield
      }) : () -> ()
      "tpu.region"() ({
        %run_scoped3A = tpu.sem_alloc : memref<!tpu.dma_semaphore, #tpu.memory_space<semaphore_mem>>
        %dma_start3A_76 = tpu.memref_slice %arg3[%add3A_44] : memref<327808xi32, #tpu.memory_space<hbm>> -> memref<128xi32, #tpu.memory_space<hbm>>
        %dma_start3A_77 = tpu.memref_slice %arg3[%add3A_44] : memref<327808xi32, #tpu.memory_space<hbm>> -> memref<128xi32, #tpu.memory_space<hbm>>
        tpu.enqueue_dma source(%dma_start3A_77 : memref<128xi32, #tpu.memory_space<hbm>>) target(%arg9 : memref<128xi32, #tpu.memory_space<vmem>>) target_semaphore(%run_scoped3A : memref<!tpu.dma_semaphore, #tpu.memory_space<semaphore_mem>>)
        %dma_wait3A_78 = tpu.memref_slice %arg3[%add3A_44] : memref<327808xi32, #tpu.memory_space<hbm>> -> memref<128xi32, #tpu.memory_space<hbm>>
        %dma_wait3A_79 = tpu.memref_slice %arg3[%add3A_44] : memref<327808xi32, #tpu.memory_space<hbm>> -> memref<128xi32, #tpu.memory_space<hbm>>
        tpu.wait_dma2 semaphore(%run_scoped3A : memref<!tpu.dma_semaphore, #tpu.memory_space<semaphore_mem>>) src(%dma_wait3A_79 : memref<128xi32, #tpu.memory_space<hbm>>) dst(%arg9 : memref<128xi32, #tpu.memory_space<vmem>>)
        tpu.yield
      }) : () -> ()
      %dma_wait3A = arith.constant 0 : i32
      %dma_wait3A_45 = arith.constant 0 : i32
      %dma_wait3A_46 = tpu.memref_slice %arg4[%dma_wait3A, %dma_wait3A_45] : memref<10000x128xf32, #tpu.memory_space<hbm>> -> memref<10000x128xf32, #tpu.memory_space<hbm>>
      tpu.wait_indirect_dma semaphore(%arg12 : memref<!tpu.dma_semaphore, #tpu.memory_space<semaphore_mem>>) src(%dma_wait3A_46 : memref<10000x128xf32, #tpu.memory_space<hbm>>) dst(%arg10 : memref<128x128xf32, #tpu.memory_space<vmem>>)
      %dma_start3A_47 = arith.constant 0 : i32
      %dma_start3A_48 = arith.constant 0 : i32
      %dma_start3A_49 = tpu.memref_slice %arg11[%dma_start3A_47, %dma_start3A_48] : memref<10112x128xf32, #tpu.memory_space<vmem_shared>> -> memref<10112x128xf32, #tpu.memory_space<vmem_shared>>
      tpu.enqueue_indirect_dma source(%arg10 : memref<128x128xf32, #tpu.memory_space<vmem>>) target(%dma_start3A_49 : memref<10112x128xf32, #tpu.memory_space<vmem_shared>>) offsets(%arg7 : memref<128xi32, #tpu.memory_space<vmem>>) semaphore(%arg13 : memref<!tpu.dma_semaphore, #tpu.memory_space<semaphore_mem>>) {add = true}
      %dma_wait3A_50 = arith.constant 0 : i32
      %dma_wait3A_51 = arith.constant 0 : i32
      %dma_wait3A_52 = tpu.memref_slice %arg11[%dma_wait3A_50, %dma_wait3A_51] : memref<10112x128xf32, #tpu.memory_space<vmem_shared>> -> memref<10112x128xf32, #tpu.memory_space<vmem_shared>>
      tpu.wait_indirect_dma semaphore(%arg13 : memref<!tpu.dma_semaphore, #tpu.memory_space<semaphore_mem>>) src(%arg10 : memref<128x128xf32, #tpu.memory_space<vmem>>) dst(%dma_wait3A_52 : memref<10112x128xf32, #tpu.memory_space<vmem_shared>>)
      %mul3A_53 = arith.constant 2 : i32
      %mul3A_54 = arith.muli %mul3A_53, %scan3A_33 : i32
      %add3A_55 = arith.constant 1 : i32
      %add3A_56 = arith.addi %mul3A_54, %add3A_55 : i32
      %dma_start3A_57 = arith.constant 0 : i32
      %dma_start3A_58 = arith.constant 0 : i32
      %dma_start3A_59 = tpu.memref_slice %arg4[%dma_start3A_57, %dma_start3A_58] : memref<10000x128xf32, #tpu.memory_space<hbm>> -> memref<10000x128xf32, #tpu.memory_space<hbm>>
      tpu.enqueue_indirect_dma source(%dma_start3A_59 : memref<10000x128xf32, #tpu.memory_space<hbm>>) target(%arg10 : memref<128x128xf32, #tpu.memory_space<vmem>>) offsets(%arg8 : memref<128xi32, #tpu.memory_space<vmem>>) semaphore(%arg12 : memref<!tpu.dma_semaphore, #tpu.memory_space<semaphore_mem>>)
      %add3A_60 = arith.constant 1 : i32
      %add3A_61 = arith.addi %add3A_56, %add3A_60 : i32
      %mul3A_62 = arith.constant 10240 : i32
      %mul3A_63 = arith.muli %add3A, %mul3A_62 : i32
      %mul3A_64 = arith.constant 128 : i32
      %mul3A_65 = arith.muli %add3A_61, %mul3A_64 : i32
      %add3A_66 = arith.addi %mul3A_63, %mul3A_65 : i32
      "tpu.region"() ({
        %run_scoped3A = tpu.sem_alloc : memref<!tpu.dma_semaphore, #tpu.memory_space<semaphore_mem>>
        %dma_start3A_76 = tpu.memref_slice %arg2[%add3A_66] : memref<327808xi32, #tpu.memory_space<hbm>> -> memref<128xi32, #tpu.memory_space<hbm>>
        %dma_start3A_77 = tpu.memref_slice %arg2[%add3A_66] : memref<327808xi32, #tpu.memory_space<hbm>> -> memref<128xi32, #tpu.memory_space<hbm>>
        tpu.enqueue_dma source(%dma_start3A_77 : memref<128xi32, #tpu.memory_space<hbm>>) target(%arg6 : memref<128xi32, #tpu.memory_space<vmem>>) target_semaphore(%run_scoped3A : memref<!tpu.dma_semaphore, #tpu.memory_space<semaphore_mem>>)
        %dma_wait3A_78 = tpu.memref_slice %arg2[%add3A_66] : memref<327808xi32, #tpu.memory_space<hbm>> -> memref<128xi32, #tpu.memory_space<hbm>>
        %dma_wait3A_79 = tpu.memref_slice %arg2[%add3A_66] : memref<327808xi32, #tpu.memory_space<hbm>> -> memref<128xi32, #tpu.memory_space<hbm>>
        tpu.wait_dma2 semaphore(%run_scoped3A : memref<!tpu.dma_semaphore, #tpu.memory_space<semaphore_mem>>) src(%dma_wait3A_79 : memref<128xi32, #tpu.memory_space<hbm>>) dst(%arg6 : memref<128xi32, #tpu.memory_space<vmem>>)
        tpu.yield
      }) : () -> ()
      "tpu.region"() ({
        %run_scoped3A = tpu.sem_alloc : memref<!tpu.dma_semaphore, #tpu.memory_space<semaphore_mem>>
        %dma_start3A_76 = tpu.memref_slice %arg3[%add3A_66] : memref<327808xi32, #tpu.memory_space<hbm>> -> memref<128xi32, #tpu.memory_space<hbm>>
        %dma_start3A_77 = tpu.memref_slice %arg3[%add3A_66] : memref<327808xi32, #tpu.memory_space<hbm>> -> memref<128xi32, #tpu.memory_space<hbm>>
        tpu.enqueue_dma source(%dma_start3A_77 : memref<128xi32, #tpu.memory_space<hbm>>) target(%arg7 : memref<128xi32, #tpu.memory_space<vmem>>) target_semaphore(%run_scoped3A : memref<!tpu.dma_semaphore, #tpu.memory_space<semaphore_mem>>)
        %dma_wait3A_78 = tpu.memref_slice %arg3[%add3A_66] : memref<327808xi32, #tpu.memory_space<hbm>> -> memref<128xi32, #tpu.memory_space<hbm>>
        %dma_wait3A_79 = tpu.memref_slice %arg3[%add3A_66] : memref<327808xi32, #tpu.memory_space<hbm>> -> memref<128xi32, #tpu.memory_space<hbm>>
        tpu.wait_dma2 semaphore(%run_scoped3A : memref<!tpu.dma_semaphore, #tpu.memory_space<semaphore_mem>>) src(%dma_wait3A_79 : memref<128xi32, #tpu.memory_space<hbm>>) dst(%arg7 : memref<128xi32, #tpu.memory_space<vmem>>)
        tpu.yield
      }) : () -> ()
      %dma_wait3A_67 = arith.constant 0 : i32
      %dma_wait3A_68 = arith.constant 0 : i32
      %dma_wait3A_69 = tpu.memref_slice %arg4[%dma_wait3A_67, %dma_wait3A_68] : memref<10000x128xf32, #tpu.memory_space<hbm>> -> memref<10000x128xf32, #tpu.memory_space<hbm>>
      tpu.wait_indirect_dma semaphore(%arg12 : memref<!tpu.dma_semaphore, #tpu.memory_space<semaphore_mem>>) src(%dma_wait3A_69 : memref<10000x128xf32, #tpu.memory_space<hbm>>) dst(%arg10 : memref<128x128xf32, #tpu.memory_space<vmem>>)
      %dma_start3A_70 = arith.constant 0 : i32
      %dma_start3A_71 = arith.constant 0 : i32
      %dma_start3A_72 = tpu.memref_slice %arg11[%dma_start3A_70, %dma_start3A_71] : memref<10112x128xf32, #tpu.memory_space<vmem_shared>> -> memref<10112x128xf32, #tpu.memory_space<vmem_shared>>
      tpu.enqueue_indirect_dma source(%arg10 : memref<128x128xf32, #tpu.memory_space<vmem>>) target(%dma_start3A_72 : memref<10112x128xf32, #tpu.memory_space<vmem_shared>>) offsets(%arg9 : memref<128xi32, #tpu.memory_space<vmem>>) semaphore(%arg13 : memref<!tpu.dma_semaphore, #tpu.memory_space<semaphore_mem>>) {add = true}
      %dma_wait3A_73 = arith.constant 0 : i32
      %dma_wait3A_74 = arith.constant 0 : i32
      %dma_wait3A_75 = tpu.memref_slice %arg11[%dma_wait3A_73, %dma_wait3A_74] : memref<10112x128xf32, #tpu.memory_space<vmem_shared>> -> memref<10112x128xf32, #tpu.memory_space<vmem_shared>>
      tpu.wait_indirect_dma semaphore(%arg13 : memref<!tpu.dma_semaphore, #tpu.memory_space<semaphore_mem>>) src(%arg10 : memref<128x128xf32, #tpu.memory_space<vmem>>) dst(%dma_wait3A_75 : memref<10112x128xf32, #tpu.memory_space<vmem_shared>>)
    }
    %scan3A_27 = arith.constant 40 : i32
    %barrier3A_28 = arith.constant 0 : index
    tpu.barrier barrier_id(%barrier3A_28)
    %mul3A_29 = arith.constant 624 : i32
    %mul3A_30 = arith.muli %arg1, %mul3A_29 : i32
    "tpu.region"() ({
      %run_scoped3A = tpu.sem_alloc : memref<!tpu.dma_semaphore, #tpu.memory_space<semaphore_mem>>
      %dma_start3A = arith.constant 0 : i32
      %dma_start3A_33 = tpu.memref_slice %arg5[%arg0, %mul3A_30, %dma_start3A] : memref<2x10000x128xf32, #tpu.memory_space<hbm>> -> memref<1x624x128xf32, #tpu.memory_space<hbm>>
      %dma_start3A_34 = tpu.memref_squeeze %dma_start3A_33 : memref<1x624x128xf32, #tpu.memory_space<hbm>> -> memref<624x128xf32, #tpu.memory_space<hbm>>
      %dma_start3A_35 = arith.constant 0 : i32
      %dma_start3A_36 = tpu.memref_slice %arg11[%mul3A_30, %dma_start3A_35] : memref<10112x128xf32, #tpu.memory_space<vmem_shared>> -> memref<624x128xf32, #tpu.memory_space<vmem_shared>>
      tpu.enqueue_dma source(%dma_start3A_36 : memref<624x128xf32, #tpu.memory_space<vmem_shared>>) target(%dma_start3A_34 : memref<624x128xf32, #tpu.memory_space<hbm>>) target_semaphore(%run_scoped3A : memref<!tpu.dma_semaphore, #tpu.memory_space<semaphore_mem>>)
      %dma_wait3A = arith.constant 0 : i32
      %dma_wait3A_37 = tpu.memref_slice %arg5[%arg0, %mul3A_30, %dma_wait3A] : memref<2x10000x128xf32, #tpu.memory_space<hbm>> -> memref<1x624x128xf32, #tpu.memory_space<hbm>>
      %dma_wait3A_38 = tpu.memref_squeeze %dma_wait3A_37 : memref<1x624x128xf32, #tpu.memory_space<hbm>> -> memref<624x128xf32, #tpu.memory_space<hbm>>
      %dma_wait3A_39 = arith.constant 0 : i32
      %dma_wait3A_40 = tpu.memref_slice %arg11[%mul3A_30, %dma_wait3A_39] : memref<10112x128xf32, #tpu.memory_space<vmem_shared>> -> memref<624x128xf32, #tpu.memory_space<vmem_shared>>
      tpu.wait_dma2 semaphore(%run_scoped3A : memref<!tpu.dma_semaphore, #tpu.memory_space<semaphore_mem>>) src(%dma_wait3A_40 : memref<624x128xf32, #tpu.memory_space<vmem_shared>>) dst(%dma_wait3A_38 : memref<624x128xf32, #tpu.memory_space<hbm>>)
      tpu.yield
    }) : () -> ()
    %eq3A = arith.constant 15 : i32
    %eq3A_31 = arith.cmpi eq, %arg1, %eq3A : i32
    %convert_element_type3A = arith.extui %eq3A_31 : i1 to i32
    %cond3A = arith.constant 0 : i32
    %cond3A_32 = arith.cmpi ne, %convert_element_type3A, %cond3A : i32
    scf.if %cond3A_32 {
      "tpu.region"() ({
        %run_scoped3A = tpu.sem_alloc : memref<!tpu.dma_semaphore, #tpu.memory_space<semaphore_mem>>
        %dma_start3A = arith.constant 9984 : i32
        %dma_start3A_33 = arith.constant 0 : i32
        %dma_start3A_34 = tpu.memref_slice %arg5[%arg0, %dma_start3A, %dma_start3A_33] : memref<2x10000x128xf32, #tpu.memory_space<hbm>> -> memref<1x16x128xf32, #tpu.memory_space<hbm>>
        %dma_start3A_35 = tpu.memref_squeeze %dma_start3A_34 : memref<1x16x128xf32, #tpu.memory_space<hbm>> -> memref<16x128xf32, #tpu.memory_space<hbm>>
        %dma_start3A_36 = arith.constant 9984 : i32
        %dma_start3A_37 = arith.constant 0 : i32
        %dma_start3A_38 = tpu.memref_slice %arg11[%dma_start3A_36, %dma_start3A_37] : memref<10112x128xf32, #tpu.memory_space<vmem_shared>> -> memref<16x128xf32, #tpu.memory_space<vmem_shared>>
        tpu.enqueue_dma source(%dma_start3A_38 : memref<16x128xf32, #tpu.memory_space<vmem_shared>>) target(%dma_start3A_35 : memref<16x128xf32, #tpu.memory_space<hbm>>) target_semaphore(%run_scoped3A : memref<!tpu.dma_semaphore, #tpu.memory_space<semaphore_mem>>)
        %dma_wait3A = arith.constant 9984 : i32
        %dma_wait3A_39 = arith.constant 0 : i32
        %dma_wait3A_40 = tpu.memref_slice %arg5[%arg0, %dma_wait3A, %dma_wait3A_39] : memref<2x10000x128xf32, #tpu.memory_space<hbm>> -> memref<1x16x128xf32, #tpu.memory_space<hbm>>
        %dma_wait3A_41 = tpu.memref_squeeze %dma_wait3A_40 : memref<1x16x128xf32, #tpu.memory_space<hbm>> -> memref<16x128xf32, #tpu.memory_space<hbm>>
        %dma_wait3A_42 = arith.constant 9984 : i32
        %dma_wait3A_43 = arith.constant 0 : i32
        %dma_wait3A_44 = tpu.memref_slice %arg11[%dma_wait3A_42, %dma_wait3A_43] : memref<10112x128xf32, #tpu.memory_space<vmem_shared>> -> memref<16x128xf32, #tpu.memory_space<vmem_shared>>
        tpu.wait_dma2 semaphore(%run_scoped3A : memref<!tpu.dma_semaphore, #tpu.memory_space<semaphore_mem>>) src(%dma_wait3A_44 : memref<16x128xf32, #tpu.memory_space<vmem_shared>>) dst(%dma_wait3A_41 : memref<16x128xf32, #tpu.memory_space<hbm>>)
        tpu.yield
      }) : () -> ()
    } else {
    }
    return
  }
}

#map = affine_map<(d0, d1) -> (0)>
#map1 = affine_map<(d0, d1) -> (0, 0)>
#map2 = affine_map<(d0, d1) -> (0, 0, 0)>
module attributes {stable_mosaic.version = 14 : i64} {
  func.func @_sc_scatter_body(%arg0: i32, %arg1: i32, %arg2: memref<327808xi32, #tpu.memory_space<hbm>>, %arg3: memref<327808xi32, #tpu.memory_space<hbm>>, %arg4: memref<10000x128xf32, #tpu.memory_space<hbm>>, %arg5: memref<2x10000x128xf32, #tpu.memory_space<hbm>>, %arg6: memref<128xi32, #tpu.memory_space<vmem>>, %arg7: memref<128xi32, #tpu.memory_space<vmem>>, %arg8: memref<128xi32, #tpu.memory_space<vmem>>, %arg9: memref<128xi32, #tpu.memory_space<vmem>>, %arg10: memref<128x128xf32, #tpu.memory_space<vmem>>, %arg11: memref<10112x128xf32, #tpu.memory_space<vmem_shared>>, %arg12: memref<!tpu.dma_semaphore, #tpu.memory_space<semaphore_mem>>, %arg13: memref<!tpu.dma_semaphore, #tpu.memory_space<semaphore_mem>>) attributes {dimension_semantics = [#tpu.dimension_semantics<core_parallel>, #tpu.dimension_semantics<subcore_parallel>], iteration_bounds = array<i64: 2, 16>, scalar_prefetch = 0 : i64, scratch_operands = 8 : i64, tpu.core_type = #tpu.core_type<sc_vector_subcore>, window_params = [{transform_indices = #map}, {transform_indices = #map}, {transform_indices = #map1}, {transform_indices = #map2}]} {
    %mul3A = arith.constant 16 : i32
    %mul3A_0 = arith.muli %arg0, %mul3A : i32
    %add3A = arith.addi %mul3A_0, %arg1 : i32
    %scan3A = arith.constant 0 : i32
    %scan3A_1 = arith.constant 0 : i32
    %scan3A_2 = arith.constant 128 : i32
    %scan3A_3 = arith.addi %scan3A_1, %scan3A_2 : i32
    %scan3A_4 = arith.constant 1 : i32
    scf.for %scan3A_33 = %scan3A_1 to %scan3A_3 step %scan3A_4  : i32 {
      %broadcast_in_dim3A = arith.constant 0.000000e+00 : f32
      %broadcast_in_dim3A_34 = vector.broadcast %broadcast_in_dim3A : f32 to vector<16xf32>
      %swap3A = arith.index_cast %scan3A_33 : i32 to index
      %swap3A_35 = arith.constant 0 : index
      %swap3A_36 = tpu.vector_load %arg10[%swap3A, %swap3A_35] {strides = array<i32>} : memref<128x128xf32, #tpu.memory_space<vmem>>, vector<1x16xf32>,
      %swap3A_37 = vector.shape_cast %swap3A_36 : vector<1x16xf32> to vector<16xf32>
      %swap3A_38 = vector.shape_cast %broadcast_in_dim3A_34 : vector<16xf32> to vector<1x16xf32>
      tpu.vector_store %arg10[%swap3A, %swap3A_35], %swap3A_38 {strides = array<i32>} : memref<128x128xf32, #tpu.memory_space<vmem>>, vector<1x16xf32>,
      %broadcast_in_dim3A_39 = arith.constant 0.000000e+00 : f32
      %broadcast_in_dim3A_40 = vector.broadcast %broadcast_in_dim3A_39 : f32 to vector<16xf32>
      %swap3A_41 = arith.index_cast %scan3A_33 : i32 to index
      %swap3A_42 = arith.constant 16 : index
      %swap3A_43 = tpu.vector_load %arg10[%swap3A_41, %swap3A_42] {strides = array<i32>} : memref<128x128xf32, #tpu.memory_space<vmem>>, vector<1x16xf32>,
      %swap3A_44 = vector.shape_cast %swap3A_43 : vector<1x16xf32> to vector<16xf32>
      %swap3A_45 = vector.shape_cast %broadcast_in_dim3A_40 : vector<16xf32> to vector<1x16xf32>
      tpu.vector_store %arg10[%swap3A_41, %swap3A_42], %swap3A_45 {strides = array<i32>} : memref<128x128xf32, #tpu.memory_space<vmem>>, vector<1x16xf32>,
      %broadcast_in_dim3A_46 = arith.constant 0.000000e+00 : f32
      %broadcast_in_dim3A_47 = vector.broadcast %broadcast_in_dim3A_46 : f32 to vector<16xf32>
      %swap3A_48 = arith.index_cast %scan3A_33 : i32 to index
      %swap3A_49 = arith.constant 32 : index
      %swap3A_50 = tpu.vector_load %arg10[%swap3A_48, %swap3A_49] {strides = array<i32>} : memref<128x128xf32, #tpu.memory_space<vmem>>, vector<1x16xf32>,
      %swap3A_51 = vector.shape_cast %swap3A_50 : vector<1x16xf32> to vector<16xf32>
      %swap3A_52 = vector.shape_cast %broadcast_in_dim3A_47 : vector<16xf32> to vector<1x16xf32>
      tpu.vector_store %arg10[%swap3A_48, %swap3A_49], %swap3A_52 {strides = array<i32>} : memref<128x128xf32, #tpu.memory_space<vmem>>, vector<1x16xf32>,
      %broadcast_in_dim3A_53 = arith.constant 0.000000e+00 : f32
      %broadcast_in_dim3A_54 = vector.broadcast %broadcast_in_dim3A_53 : f32 to vector<16xf32>
      %swap3A_55 = arith.index_cast %scan3A_33 : i32 to index
      %swap3A_56 = arith.constant 48 : index
      %swap3A_57 = tpu.vector_load %arg10[%swap3A_55, %swap3A_56] {strides = array<i32>} : memref<128x128xf32, #tpu.memory_space<vmem>>, vector<1x16xf32>,
      %swap3A_58 = vector.shape_cast %swap3A_57 : vector<1x16xf32> to vector<16xf32>
      %swap3A_59 = vector.shape_cast %broadcast_in_dim3A_54 : vector<16xf32> to vector<1x16xf32>
      tpu.vector_store %arg10[%swap3A_55, %swap3A_56], %swap3A_59 {strides = array<i32>} : memref<128x128xf32, #tpu.memory_space<vmem>>, vector<1x16xf32>,
      %broadcast_in_dim3A_60 = arith.constant 0.000000e+00 : f32
      %broadcast_in_dim3A_61 = vector.broadcast %broadcast_in_dim3A_60 : f32 to vector<16xf32>
      %swap3A_62 = arith.index_cast %scan3A_33 : i32 to index
      %swap3A_63 = arith.constant 64 : index
      %swap3A_64 = tpu.vector_load %arg10[%swap3A_62, %swap3A_63] {strides = array<i32>} : memref<128x128xf32, #tpu.memory_space<vmem>>, vector<1x16xf32>,
      %swap3A_65 = vector.shape_cast %swap3A_64 : vector<1x16xf32> to vector<16xf32>
      %swap3A_66 = vector.shape_cast %broadcast_in_dim3A_61 : vector<16xf32> to vector<1x16xf32>
      tpu.vector_store %arg10[%swap3A_62, %swap3A_63], %swap3A_66 {strides = array<i32>} : memref<128x128xf32, #tpu.memory_space<vmem>>, vector<1x16xf32>,
      %broadcast_in_dim3A_67 = arith.constant 0.000000e+00 : f32
      %broadcast_in_dim3A_68 = vector.broadcast %broadcast_in_dim3A_67 : f32 to vector<16xf32>
      %swap3A_69 = arith.index_cast %scan3A_33 : i32 to index
      %swap3A_70 = arith.constant 80 : index
      %swap3A_71 = tpu.vector_load %arg10[%swap3A_69, %swap3A_70] {strides = array<i32>} : memref<128x128xf32, #tpu.memory_space<vmem>>, vector<1x16xf32>,
      %swap3A_72 = vector.shape_cast %swap3A_71 : vector<1x16xf32> to vector<16xf32>
      %swap3A_73 = vector.shape_cast %broadcast_in_dim3A_68 : vector<16xf32> to vector<1x16xf32>
      tpu.vector_store %arg10[%swap3A_69, %swap3A_70], %swap3A_73 {strides = array<i32>} : memref<128x128xf32, #tpu.memory_space<vmem>>, vector<1x16xf32>,
      %broadcast_in_dim3A_74 = arith.constant 0.000000e+00 : f32
      %broadcast_in_dim3A_75 = vector.broadcast %broadcast_in_dim3A_74 : f32 to vector<16xf32>
      %swap3A_76 = arith.index_cast %scan3A_33 : i32 to index
      %swap3A_77 = arith.constant 96 : index
      %swap3A_78 = tpu.vector_load %arg10[%swap3A_76, %swap3A_77] {strides = array<i32>} : memref<128x128xf32, #tpu.memory_space<vmem>>, vector<1x16xf32>,
      %swap3A_79 = vector.shape_cast %swap3A_78 : vector<1x16xf32> to vector<16xf32>
      %swap3A_80 = vector.shape_cast %broadcast_in_dim3A_75 : vector<16xf32> to vector<1x16xf32>
      tpu.vector_store %arg10[%swap3A_76, %swap3A_77], %swap3A_80 {strides = array<i32>} : memref<128x128xf32, #tpu.memory_space<vmem>>, vector<1x16xf32>,
      %broadcast_in_dim3A_81 = arith.constant 0.000000e+00 : f32
      %broadcast_in_dim3A_82 = vector.broadcast %broadcast_in_dim3A_81 : f32 to vector<16xf32>
      %swap3A_83 = arith.index_cast %scan3A_33 : i32 to index
      %swap3A_84 = arith.constant 112 : index
      %swap3A_85 = tpu.vector_load %arg10[%swap3A_83, %swap3A_84] {strides = array<i32>} : memref<128x128xf32, #tpu.memory_space<vmem>>, vector<1x16xf32>,
      %swap3A_86 = vector.shape_cast %swap3A_85 : vector<1x16xf32> to vector<16xf32>
      %swap3A_87 = vector.shape_cast %broadcast_in_dim3A_82 : vector<16xf32> to vector<1x16xf32>
      tpu.vector_store %arg10[%swap3A_83, %swap3A_84], %swap3A_87 {strides = array<i32>} : memref<128x128xf32, #tpu.memory_space<vmem>>, vector<1x16xf32>,
    }
    %scan3A_5 = arith.constant 128 : i32
    %mul3A_6 = arith.constant 632 : i32
    %mul3A_7 = arith.muli %arg1, %mul3A_6 : i32
    %add3A_8 = arith.constant 0 : i32
    %add3A_9 = arith.addi %mul3A_7, %add3A_8 : i32
    "tpu.region"() ({
      %run_scoped3A = tpu.sem_alloc : memref<!tpu.dma_semaphore, #tpu.memory_space<semaphore_mem>>
      %dma_start3A = arith.constant 0 : i32
      %dma_start3A_33 = tpu.memref_slice %arg11[%add3A_9, %dma_start3A] : memref<10112x128xf32, #tpu.memory_space<vmem_shared>> -> memref<128x128xf32, #tpu.memory_space<vmem_shared>>
      %dma_start3A_34 = arith.constant 0 : i32
      %dma_start3A_35 = tpu.memref_slice %arg11[%add3A_9, %dma_start3A_34] : memref<10112x128xf32, #tpu.memory_space<vmem_shared>> -> memref<128x128xf32, #tpu.memory_space<vmem_shared>>
      tpu.enqueue_dma source(%arg10 : memref<128x128xf32, #tpu.memory_space<vmem>>) target(%dma_start3A_35 : memref<128x128xf32, #tpu.memory_space<vmem_shared>>) target_semaphore(%run_scoped3A : memref<!tpu.dma_semaphore, #tpu.memory_space<semaphore_mem>>)
      %dma_wait3A = arith.constant 0 : i32
      %dma_wait3A_36 = tpu.memref_slice %arg11[%add3A_9, %dma_wait3A] : memref<10112x128xf32, #tpu.memory_space<vmem_shared>> -> memref<128x128xf32, #tpu.memory_space<vmem_shared>>
      %dma_wait3A_37 = arith.constant 0 : i32
      %dma_wait3A_38 = tpu.memref_slice %arg11[%add3A_9, %dma_wait3A_37] : memref<10112x128xf32, #tpu.memory_space<vmem_shared>> -> memref<128x128xf32, #tpu.memory_space<vmem_shared>>
      tpu.wait_dma2 semaphore(%run_scoped3A : memref<!tpu.dma_semaphore, #tpu.memory_space<semaphore_mem>>) src(%arg10 : memref<128x128xf32, #tpu.memory_space<vmem>>) dst(%dma_wait3A_38 : memref<128x128xf32, #tpu.memory_space<vmem_shared>>)
      tpu.yield
    }) : () -> ()
    %add3A_10 = arith.constant 128 : i32
    %add3A_11 = arith.addi %mul3A_7, %add3A_10 : i32
    "tpu.region"() ({
      %run_scoped3A = tpu.sem_alloc : memref<!tpu.dma_semaphore, #tpu.memory_space<semaphore_mem>>
      %dma_start3A = arith.constant 0 : i32
      %dma_start3A_33 = tpu.memref_slice %arg11[%add3A_11, %dma_start3A] : memref<10112x128xf32, #tpu.memory_space<vmem_shared>> -> memref<128x128xf32, #tpu.memory_space<vmem_shared>>
      %dma_start3A_34 = arith.constant 0 : i32
      %dma_start3A_35 = tpu.memref_slice %arg11[%add3A_11, %dma_start3A_34] : memref<10112x128xf32, #tpu.memory_space<vmem_shared>> -> memref<128x128xf32, #tpu.memory_space<vmem_shared>>
      tpu.enqueue_dma source(%arg10 : memref<128x128xf32, #tpu.memory_space<vmem>>) target(%dma_start3A_35 : memref<128x128xf32, #tpu.memory_space<vmem_shared>>) target_semaphore(%run_scoped3A : memref<!tpu.dma_semaphore, #tpu.memory_space<semaphore_mem>>)
      %dma_wait3A = arith.constant 0 : i32
      %dma_wait3A_36 = tpu.memref_slice %arg11[%add3A_11, %dma_wait3A] : memref<10112x128xf32, #tpu.memory_space<vmem_shared>> -> memref<128x128xf32, #tpu.memory_space<vmem_shared>>
      %dma_wait3A_37 = arith.constant 0 : i32
      %dma_wait3A_38 = tpu.memref_slice %arg11[%add3A_11, %dma_wait3A_37] : memref<10112x128xf32, #tpu.memory_space<vmem_shared>> -> memref<128x128xf32, #tpu.memory_space<vmem_shared>>
      tpu.wait_dma2 semaphore(%run_scoped3A : memref<!tpu.dma_semaphore, #tpu.memory_space<semaphore_mem>>) src(%arg10 : memref<128x128xf32, #tpu.memory_space<vmem>>) dst(%dma_wait3A_38 : memref<128x128xf32, #tpu.memory_space<vmem_shared>>)
      tpu.yield
    }) : () -> ()
    %add3A_12 = arith.constant 256 : i32
    %add3A_13 = arith.addi %mul3A_7, %add3A_12 : i32
    "tpu.region"() ({
      %run_scoped3A = tpu.sem_alloc : memref<!tpu.dma_semaphore, #tpu.memory_space<semaphore_mem>>
      %dma_start3A = arith.constant 0 : i32
      %dma_start3A_33 = tpu.memref_slice %arg11[%add3A_13, %dma_start3A] : memref<10112x128xf32, #tpu.memory_space<vmem_shared>> -> memref<128x128xf32, #tpu.memory_space<vmem_shared>>
      %dma_start3A_34 = arith.constant 0 : i32
      %dma_start3A_35 = tpu.memref_slice %arg11[%add3A_13, %dma_start3A_34] : memref<10112x128xf32, #tpu.memory_space<vmem_shared>> -> memref<128x128xf32, #tpu.memory_space<vmem_shared>>
      tpu.enqueue_dma source(%arg10 : memref<128x128xf32, #tpu.memory_space<vmem>>) target(%dma_start3A_35 : memref<128x128xf32, #tpu.memory_space<vmem_shared>>) target_semaphore(%run_scoped3A : memref<!tpu.dma_semaphore, #tpu.memory_space<semaphore_mem>>)
      %dma_wait3A = arith.constant 0 : i32
      %dma_wait3A_36 = tpu.memref_slice %arg11[%add3A_13, %dma_wait3A] : memref<10112x128xf32, #tpu.memory_space<vmem_shared>> -> memref<128x128xf32, #tpu.memory_space<vmem_shared>>
      %dma_wait3A_37 = arith.constant 0 : i32
      %dma_wait3A_38 = tpu.memref_slice %arg11[%add3A_13, %dma_wait3A_37] : memref<10112x128xf32, #tpu.memory_space<vmem_shared>> -> memref<128x128xf32, #tpu.memory_space<vmem_shared>>
      tpu.wait_dma2 semaphore(%run_scoped3A : memref<!tpu.dma_semaphore, #tpu.memory_space<semaphore_mem>>) src(%arg10 : memref<128x128xf32, #tpu.memory_space<vmem>>) dst(%dma_wait3A_38 : memref<128x128xf32, #tpu.memory_space<vmem_shared>>)
      tpu.yield
    }) : () -> ()
    %add3A_14 = arith.constant 384 : i32
    %add3A_15 = arith.addi %mul3A_7, %add3A_14 : i32
    "tpu.region"() ({
      %run_scoped3A = tpu.sem_alloc : memref<!tpu.dma_semaphore, #tpu.memory_space<semaphore_mem>>
      %dma_start3A = arith.constant 0 : i32
      %dma_start3A_33 = tpu.memref_slice %arg11[%add3A_15, %dma_start3A] : memref<10112x128xf32, #tpu.memory_space<vmem_shared>> -> memref<128x128xf32, #tpu.memory_space<vmem_shared>>
      %dma_start3A_34 = arith.constant 0 : i32
      %dma_start3A_35 = tpu.memref_slice %arg11[%add3A_15, %dma_start3A_34] : memref<10112x128xf32, #tpu.memory_space<vmem_shared>> -> memref<128x128xf32, #tpu.memory_space<vmem_shared>>
      tpu.enqueue_dma source(%arg10 : memref<128x128xf32, #tpu.memory_space<vmem>>) target(%dma_start3A_35 : memref<128x128xf32, #tpu.memory_space<vmem_shared>>) target_semaphore(%run_scoped3A : memref<!tpu.dma_semaphore, #tpu.memory_space<semaphore_mem>>)
      %dma_wait3A = arith.constant 0 : i32
      %dma_wait3A_36 = tpu.memref_slice %arg11[%add3A_15, %dma_wait3A] : memref<10112x128xf32, #tpu.memory_space<vmem_shared>> -> memref<128x128xf32, #tpu.memory_space<vmem_shared>>
      %dma_wait3A_37 = arith.constant 0 : i32
      %dma_wait3A_38 = tpu.memref_slice %arg11[%add3A_15, %dma_wait3A_37] : memref<10112x128xf32, #tpu.memory_space<vmem_shared>> -> memref<128x128xf32, #tpu.memory_space<vmem_shared>>
      tpu.wait_dma2 semaphore(%run_scoped3A : memref<!tpu.dma_semaphore, #tpu.memory_space<semaphore_mem>>) src(%arg10 : memref<128x128xf32, #tpu.memory_space<vmem>>) dst(%dma_wait3A_38 : memref<128x128xf32, #tpu.memory_space<vmem_shared>>)
      tpu.yield
    }) : () -> ()
    %add3A_16 = arith.constant 512 : i32
    %add3A_17 = arith.addi %mul3A_7, %add3A_16 : i32
    "tpu.region"() ({
      %run_scoped3A = tpu.sem_alloc : memref<!tpu.dma_semaphore, #tpu.memory_space<semaphore_mem>>
      %dma_start3A = arith.constant 0 : i32
      %dma_start3A_33 = arith.constant 0 : i32
      %dma_start3A_34 = tpu.memref_slice %arg10[%dma_start3A, %dma_start3A_33] : memref<128x128xf32, #tpu.memory_space<vmem>> -> memref<120x128xf32, #tpu.memory_space<vmem>>
      %dma_start3A_35 = arith.constant 0 : i32
      %dma_start3A_36 = tpu.memref_slice %arg11[%add3A_17, %dma_start3A_35] : memref<10112x128xf32, #tpu.memory_space<vmem_shared>> -> memref<120x128xf32, #tpu.memory_space<vmem_shared>>
      %dma_start3A_37 = arith.constant 0 : i32
      %dma_start3A_38 = tpu.memref_slice %arg11[%add3A_17, %dma_start3A_37] : memref<10112x128xf32, #tpu.memory_space<vmem_shared>> -> memref<120x128xf32, #tpu.memory_space<vmem_shared>>
      %dma_start3A_39 = arith.constant 0 : i32
      %dma_start3A_40 = arith.constant 0 : i32
      %dma_start3A_41 = tpu.memref_slice %arg10[%dma_start3A_39, %dma_start3A_40] : memref<128x128xf32, #tpu.memory_space<vmem>> -> memref<120x128xf32, #tpu.memory_space<vmem>>
      tpu.enqueue_dma source(%dma_start3A_41 : memref<120x128xf32, #tpu.memory_space<vmem>>) target(%dma_start3A_38 : memref<120x128xf32, #tpu.memory_space<vmem_shared>>) target_semaphore(%run_scoped3A : memref<!tpu.dma_semaphore, #tpu.memory_space<semaphore_mem>>)
      %dma_wait3A = arith.constant 0 : i32
      %dma_wait3A_42 = arith.constant 0 : i32
      %dma_wait3A_43 = tpu.memref_slice %arg10[%dma_wait3A, %dma_wait3A_42] : memref<128x128xf32, #tpu.memory_space<vmem>> -> memref<120x128xf32, #tpu.memory_space<vmem>>
      %dma_wait3A_44 = arith.constant 0 : i32
      %dma_wait3A_45 = tpu.memref_slice %arg11[%add3A_17, %dma_wait3A_44] : memref<10112x128xf32, #tpu.memory_space<vmem_shared>> -> memref<120x128xf32, #tpu.memory_space<vmem_shared>>
      %dma_wait3A_46 = arith.constant 0 : i32
      %dma_wait3A_47 = tpu.memref_slice %arg11[%add3A_17, %dma_wait3A_46] : memref<10112x128xf32, #tpu.memory_space<vmem_shared>> -> memref<120x128xf32, #tpu.memory_space<vmem_shared>>
      %dma_wait3A_48 = arith.constant 0 : i32
      %dma_wait3A_49 = arith.constant 0 : i32
      %dma_wait3A_50 = tpu.memref_slice %arg10[%dma_wait3A_48, %dma_wait3A_49] : memref<128x128xf32, #tpu.memory_space<vmem>> -> memref<120x128xf32, #tpu.memory_space<vmem>>
      tpu.wait_dma2 semaphore(%run_scoped3A : memref<!tpu.dma_semaphore, #tpu.memory_space<semaphore_mem>>) src(%dma_wait3A_50 : memref<120x128xf32, #tpu.memory_space<vmem>>) dst(%dma_wait3A_47 : memref<120x128xf32, #tpu.memory_space<vmem_shared>>)
      tpu.yield
    }) : () -> ()
    %barrier3A = arith.constant 0 : index
    tpu.barrier barrier_id(%barrier3A)
    %mul3A_18 = arith.constant 10240 : i32
    %mul3A_19 = arith.muli %add3A, %mul3A_18 : i32
    %add3A_20 = arith.constant 0 : i32
    %add3A_21 = arith.addi %mul3A_19, %add3A_20 : i32
    "tpu.region"() ({
      %run_scoped3A = tpu.sem_alloc : memref<!tpu.dma_semaphore, #tpu.memory_space<semaphore_mem>>
      %dma_start3A = tpu.memref_slice %arg2[%add3A_21] : memref<327808xi32, #tpu.memory_space<hbm>> -> memref<128xi32, #tpu.memory_space<hbm>>
      %dma_start3A_33 = tpu.memref_slice %arg2[%add3A_21] : memref<327808xi32, #tpu.memory_space<hbm>> -> memref<128xi32, #tpu.memory_space<hbm>>
      tpu.enqueue_dma source(%dma_start3A_33 : memref<128xi32, #tpu.memory_space<hbm>>) target(%arg6 : memref<128xi32, #tpu.memory_space<vmem>>) target_semaphore(%run_scoped3A : memref<!tpu.dma_semaphore, #tpu.memory_space<semaphore_mem>>)
      %dma_wait3A = tpu.memref_slice %arg2[%add3A_21] : memref<327808xi32, #tpu.memory_space<hbm>> -> memref<128xi32, #tpu.memory_space<hbm>>
      %dma_wait3A_34 = tpu.memref_slice %arg2[%add3A_21] : memref<327808xi32, #tpu.memory_space<hbm>> -> memref<128xi32, #tpu.memory_space<hbm>>
      tpu.wait_dma2 semaphore(%run_scoped3A : memref<!tpu.dma_semaphore, #tpu.memory_space<semaphore_mem>>) src(%dma_wait3A_34 : memref<128xi32, #tpu.memory_space<hbm>>) dst(%arg6 : memref<128xi32, #tpu.memory_space<vmem>>)
      tpu.yield
    }) : () -> ()
    "tpu.region"() ({
      %run_scoped3A = tpu.sem_alloc : memref<!tpu.dma_semaphore, #tpu.memory_space<semaphore_mem>>
      %dma_start3A = tpu.memref_slice %arg3[%add3A_21] : memref<327808xi32, #tpu.memory_space<hbm>> -> memref<128xi32, #tpu.memory_space<hbm>>
      %dma_start3A_33 = tpu.memref_slice %arg3[%add3A_21] : memref<327808xi32, #tpu.memory_space<hbm>> -> memref<128xi32, #tpu.memory_space<hbm>>
      tpu.enqueue_dma source(%dma_start3A_33 : memref<128xi32, #tpu.memory_space<hbm>>) target(%arg7 : memref<128xi32, #tpu.memory_space<vmem>>) target_semaphore(%run_scoped3A : memref<!tpu.dma_semaphore, #tpu.memory_space<semaphore_mem>>)
      %dma_wait3A = tpu.memref_slice %arg3[%add3A_21] : memref<327808xi32, #tpu.memory_space<hbm>> -> memref<128xi32, #tpu.memory_space<hbm>>
      %dma_wait3A_34 = tpu.memref_slice %arg3[%add3A_21] : memref<327808xi32, #tpu.memory_space<hbm>> -> memref<128xi32, #tpu.memory_space<hbm>>
      tpu.wait_dma2 semaphore(%run_scoped3A : memref<!tpu.dma_semaphore, #tpu.memory_space<semaphore_mem>>) src(%dma_wait3A_34 : memref<128xi32, #tpu.memory_space<hbm>>) dst(%arg7 : memref<128xi32, #tpu.memory_space<vmem>>)
      tpu.yield
    }) : () -> ()
    %scan3A_22 = arith.constant 0 : i32
    %scan3A_23 = arith.constant 0 : i32
    %scan3A_24 = arith.constant 40 : i32
    %scan3A_25 = arith.addi %scan3A_23, %scan3A_24 : i32
    %scan3A_26 = arith.constant 1 : i32
    scf.for %scan3A_33 = %scan3A_23 to %scan3A_25 step %scan3A_26  : i32 {
      %mul3A_34 = arith.constant 2 : i32
      %mul3A_35 = arith.muli %mul3A_34, %scan3A_33 : i32
      %dma_start3A = arith.constant 0 : i32
      %dma_start3A_36 = arith.constant 0 : i32
      %dma_start3A_37 = tpu.memref_slice %arg4[%dma_start3A, %dma_start3A_36] : memref<10000x128xf32, #tpu.memory_space<hbm>> -> memref<10000x128xf32, #tpu.memory_space<hbm>>
      tpu.enqueue_indirect_dma source(%dma_start3A_37 : memref<10000x128xf32, #tpu.memory_space<hbm>>) target(%arg10 : memref<128x128xf32, #tpu.memory_space<vmem>>) offsets(%arg6 : memref<128xi32, #tpu.memory_space<vmem>>) semaphore(%arg12 : memref<!tpu.dma_semaphore, #tpu.memory_space<semaphore_mem>>)
      %add3A_38 = arith.constant 1 : i32
      %add3A_39 = arith.addi %mul3A_35, %add3A_38 : i32
      %mul3A_40 = arith.constant 10240 : i32
      %mul3A_41 = arith.muli %add3A, %mul3A_40 : i32
      %mul3A_42 = arith.constant 128 : i32
      %mul3A_43 = arith.muli %add3A_39, %mul3A_42 : i32
      %add3A_44 = arith.addi %mul3A_41, %mul3A_43 : i32
      "tpu.region"() ({
        %run_scoped3A = tpu.sem_alloc : memref<!tpu.dma_semaphore, #tpu.memory_space<semaphore_mem>>
        %dma_start3A_76 = tpu.memref_slice %arg2[%add3A_44] : memref<327808xi32, #tpu.memory_space<hbm>> -> memref<128xi32, #tpu.memory_space<hbm>>
        %dma_start3A_77 = tpu.memref_slice %arg2[%add3A_44] : memref<327808xi32, #tpu.memory_space<hbm>> -> memref<128xi32, #tpu.memory_space<hbm>>
        tpu.enqueue_dma source(%dma_start3A_77 : memref<128xi32, #tpu.memory_space<hbm>>) target(%arg8 : memref<128xi32, #tpu.memory_space<vmem>>) target_semaphore(%run_scoped3A : memref<!tpu.dma_semaphore, #tpu.memory_space<semaphore_mem>>)
        %dma_wait3A_78 = tpu.memref_slice %arg2[%add3A_44] : memref<327808xi32, #tpu.memory_space<hbm>> -> memref<128xi32, #tpu.memory_space<hbm>>
        %dma_wait3A_79 = tpu.memref_slice %arg2[%add3A_44] : memref<327808xi32, #tpu.memory_space<hbm>> -> memref<128xi32, #tpu.memory_space<hbm>>
        tpu.wait_dma2 semaphore(%run_scoped3A : memref<!tpu.dma_semaphore, #tpu.memory_space<semaphore_mem>>) src(%dma_wait3A_79 : memref<128xi32, #tpu.memory_space<hbm>>) dst(%arg8 : memref<128xi32, #tpu.memory_space<vmem>>)
        tpu.yield
      }) : () -> ()
      "tpu.region"() ({
        %run_scoped3A = tpu.sem_alloc : memref<!tpu.dma_semaphore, #tpu.memory_space<semaphore_mem>>
        %dma_start3A_76 = tpu.memref_slice %arg3[%add3A_44] : memref<327808xi32, #tpu.memory_space<hbm>> -> memref<128xi32, #tpu.memory_space<hbm>>
        %dma_start3A_77 = tpu.memref_slice %arg3[%add3A_44] : memref<327808xi32, #tpu.memory_space<hbm>> -> memref<128xi32, #tpu.memory_space<hbm>>
        tpu.enqueue_dma source(%dma_start3A_77 : memref<128xi32, #tpu.memory_space<hbm>>) target(%arg9 : memref<128xi32, #tpu.memory_space<vmem>>) target_semaphore(%run_scoped3A : memref<!tpu.dma_semaphore, #tpu.memory_space<semaphore_mem>>)
        %dma_wait3A_78 = tpu.memref_slice %arg3[%add3A_44] : memref<327808xi32, #tpu.memory_space<hbm>> -> memref<128xi32, #tpu.memory_space<hbm>>
        %dma_wait3A_79 = tpu.memref_slice %arg3[%add3A_44] : memref<327808xi32, #tpu.memory_space<hbm>> -> memref<128xi32, #tpu.memory_space<hbm>>
        tpu.wait_dma2 semaphore(%run_scoped3A : memref<!tpu.dma_semaphore, #tpu.memory_space<semaphore_mem>>) src(%dma_wait3A_79 : memref<128xi32, #tpu.memory_space<hbm>>) dst(%arg9 : memref<128xi32, #tpu.memory_space<vmem>>)
        tpu.yield
      }) : () -> ()
      %dma_wait3A = arith.constant 0 : i32
      %dma_wait3A_45 = arith.constant 0 : i32
      %dma_wait3A_46 = tpu.memref_slice %arg4[%dma_wait3A, %dma_wait3A_45] : memref<10000x128xf32, #tpu.memory_space<hbm>> -> memref<10000x128xf32, #tpu.memory_space<hbm>>
      tpu.wait_indirect_dma semaphore(%arg12 : memref<!tpu.dma_semaphore, #tpu.memory_space<semaphore_mem>>) src(%dma_wait3A_46 : memref<10000x128xf32, #tpu.memory_space<hbm>>) dst(%arg10 : memref<128x128xf32, #tpu.memory_space<vmem>>)
      %dma_start3A_47 = arith.constant 0 : i32
      %dma_start3A_48 = arith.constant 0 : i32
      %dma_start3A_49 = tpu.memref_slice %arg11[%dma_start3A_47, %dma_start3A_48] : memref<10112x128xf32, #tpu.memory_space<vmem_shared>> -> memref<10112x128xf32, #tpu.memory_space<vmem_shared>>
      tpu.enqueue_indirect_dma source(%arg10 : memref<128x128xf32, #tpu.memory_space<vmem>>) target(%dma_start3A_49 : memref<10112x128xf32, #tpu.memory_space<vmem_shared>>) offsets(%arg7 : memref<128xi32, #tpu.memory_space<vmem>>) semaphore(%arg13 : memref<!tpu.dma_semaphore, #tpu.memory_space<semaphore_mem>>) {add = true}
      %dma_wait3A_50 = arith.constant 0 : i32
      %dma_wait3A_51 = arith.constant 0 : i32
      %dma_wait3A_52 = tpu.memref_slice %arg11[%dma_wait3A_50, %dma_wait3A_51] : memref<10112x128xf32, #tpu.memory_space<vmem_shared>> -> memref<10112x128xf32, #tpu.memory_space<vmem_shared>>
      tpu.wait_indirect_dma semaphore(%arg13 : memref<!tpu.dma_semaphore, #tpu.memory_space<semaphore_mem>>) src(%arg10 : memref<128x128xf32, #tpu.memory_space<vmem>>) dst(%dma_wait3A_52 : memref<10112x128xf32, #tpu.memory_space<vmem_shared>>)
      %mul3A_53 = arith.constant 2 : i32
      %mul3A_54 = arith.muli %mul3A_53, %scan3A_33 : i32
      %add3A_55 = arith.constant 1 : i32
      %add3A_56 = arith.addi %mul3A_54, %add3A_55 : i32
      %dma_start3A_57 = arith.constant 0 : i32
      %dma_start3A_58 = arith.constant 0 : i32
      %dma_start3A_59 = tpu.memref_slice %arg4[%dma_start3A_57, %dma_start3A_58] : memref<10000x128xf32, #tpu.memory_space<hbm>> -> memref<10000x128xf32, #tpu.memory_space<hbm>>
      tpu.enqueue_indirect_dma source(%dma_start3A_59 : memref<10000x128xf32, #tpu.memory_space<hbm>>) target(%arg10 : memref<128x128xf32, #tpu.memory_space<vmem>>) offsets(%arg8 : memref<128xi32, #tpu.memory_space<vmem>>) semaphore(%arg12 : memref<!tpu.dma_semaphore, #tpu.memory_space<semaphore_mem>>)
      %add3A_60 = arith.constant 1 : i32
      %add3A_61 = arith.addi %add3A_56, %add3A_60 : i32
      %mul3A_62 = arith.constant 10240 : i32
      %mul3A_63 = arith.muli %add3A, %mul3A_62 : i32
      %mul3A_64 = arith.constant 128 : i32
      %mul3A_65 = arith.muli %add3A_61, %mul3A_64 : i32
      %add3A_66 = arith.addi %mul3A_63, %mul3A_65 : i32
      "tpu.region"() ({
        %run_scoped3A = tpu.sem_alloc : memref<!tpu.dma_semaphore, #tpu.memory_space<semaphore_mem>>
        %dma_start3A_76 = tpu.memref_slice %arg2[%add3A_66] : memref<327808xi32, #tpu.memory_space<hbm>> -> memref<128xi32, #tpu.memory_space<hbm>>
        %dma_start3A_77 = tpu.memref_slice %arg2[%add3A_66] : memref<327808xi32, #tpu.memory_space<hbm>> -> memref<128xi32, #tpu.memory_space<hbm>>
        tpu.enqueue_dma source(%dma_start3A_77 : memref<128xi32, #tpu.memory_space<hbm>>) target(%arg6 : memref<128xi32, #tpu.memory_space<vmem>>) target_semaphore(%run_scoped3A : memref<!tpu.dma_semaphore, #tpu.memory_space<semaphore_mem>>)
        %dma_wait3A_78 = tpu.memref_slice %arg2[%add3A_66] : memref<327808xi32, #tpu.memory_space<hbm>> -> memref<128xi32, #tpu.memory_space<hbm>>
        %dma_wait3A_79 = tpu.memref_slice %arg2[%add3A_66] : memref<327808xi32, #tpu.memory_space<hbm>> -> memref<128xi32, #tpu.memory_space<hbm>>
        tpu.wait_dma2 semaphore(%run_scoped3A : memref<!tpu.dma_semaphore, #tpu.memory_space<semaphore_mem>>) src(%dma_wait3A_79 : memref<128xi32, #tpu.memory_space<hbm>>) dst(%arg6 : memref<128xi32, #tpu.memory_space<vmem>>)
        tpu.yield
      }) : () -> ()
      "tpu.region"() ({
        %run_scoped3A = tpu.sem_alloc : memref<!tpu.dma_semaphore, #tpu.memory_space<semaphore_mem>>
        %dma_start3A_76 = tpu.memref_slice %arg3[%add3A_66] : memref<327808xi32, #tpu.memory_space<hbm>> -> memref<128xi32, #tpu.memory_space<hbm>>
        %dma_start3A_77 = tpu.memref_slice %arg3[%add3A_66] : memref<327808xi32, #tpu.memory_space<hbm>> -> memref<128xi32, #tpu.memory_space<hbm>>
        tpu.enqueue_dma source(%dma_start3A_77 : memref<128xi32, #tpu.memory_space<hbm>>) target(%arg7 : memref<128xi32, #tpu.memory_space<vmem>>) target_semaphore(%run_scoped3A : memref<!tpu.dma_semaphore, #tpu.memory_space<semaphore_mem>>)
        %dma_wait3A_78 = tpu.memref_slice %arg3[%add3A_66] : memref<327808xi32, #tpu.memory_space<hbm>> -> memref<128xi32, #tpu.memory_space<hbm>>
        %dma_wait3A_79 = tpu.memref_slice %arg3[%add3A_66] : memref<327808xi32, #tpu.memory_space<hbm>> -> memref<128xi32, #tpu.memory_space<hbm>>
        tpu.wait_dma2 semaphore(%run_scoped3A : memref<!tpu.dma_semaphore, #tpu.memory_space<semaphore_mem>>) src(%dma_wait3A_79 : memref<128xi32, #tpu.memory_space<hbm>>) dst(%arg7 : memref<128xi32, #tpu.memory_space<vmem>>)
        tpu.yield
      }) : () -> ()
      %dma_wait3A_67 = arith.constant 0 : i32
      %dma_wait3A_68 = arith.constant 0 : i32
      %dma_wait3A_69 = tpu.memref_slice %arg4[%dma_wait3A_67, %dma_wait3A_68] : memref<10000x128xf32, #tpu.memory_space<hbm>> -> memref<10000x128xf32, #tpu.memory_space<hbm>>
      tpu.wait_indirect_dma semaphore(%arg12 : memref<!tpu.dma_semaphore, #tpu.memory_space<semaphore_mem>>) src(%dma_wait3A_69 : memref<10000x128xf32, #tpu.memory_space<hbm>>) dst(%arg10 : memref<128x128xf32, #tpu.memory_space<vmem>>)
      %dma_start3A_70 = arith.constant 0 : i32
      %dma_start3A_71 = arith.constant 0 : i32
      %dma_start3A_72 = tpu.memref_slice %arg11[%dma_start3A_70, %dma_start3A_71] : memref<10112x128xf32, #tpu.memory_space<vmem_shared>> -> memref<10112x128xf32, #tpu.memory_space<vmem_shared>>
      tpu.enqueue_indirect_dma source(%arg10 : memref<128x128xf32, #tpu.memory_space<vmem>>) target(%dma_start3A_72 : memref<10112x128xf32, #tpu.memory_space<vmem_shared>>) offsets(%arg9 : memref<128xi32, #tpu.memory_space<vmem>>) semaphore(%arg13 : memref<!tpu.dma_semaphore, #tpu.memory_space<semaphore_mem>>) {add = true}
      %dma_wait3A_73 = arith.constant 0 : i32
      %dma_wait3A_74 = arith.constant 0 : i32
      %dma_wait3A_75 = tpu.memref_slice %arg11[%dma_wait3A_73, %dma_wait3A_74] : memref<10112x128xf32, #tpu.memory_space<vmem_shared>> -> memref<10112x128xf32, #tpu.memory_space<vmem_shared>>
      tpu.wait_indirect_dma semaphore(%arg13 : memref<!tpu.dma_semaphore, #tpu.memory_space<semaphore_mem>>) src(%arg10 : memref<128x128xf32, #tpu.memory_space<vmem>>) dst(%dma_wait3A_75 : memref<10112x128xf32, #tpu.memory_space<vmem_shared>>)
    }
    %scan3A_27 = arith.constant 40 : i32
    %barrier3A_28 = arith.constant 0 : index
    tpu.barrier barrier_id(%barrier3A_28)
    %mul3A_29 = arith.constant 624 : i32
    %mul3A_30 = arith.muli %arg1, %mul3A_29 : i32
    "tpu.region"() ({
      %run_scoped3A = tpu.sem_alloc : memref<!tpu.dma_semaphore, #tpu.memory_space<semaphore_mem>>
      %dma_start3A = arith.constant 0 : i32
      %dma_start3A_33 = tpu.memref_slice %arg5[%arg0, %mul3A_30, %dma_start3A] : memref<2x10000x128xf32, #tpu.memory_space<hbm>> -> memref<1x624x128xf32, #tpu.memory_space<hbm>>
      %dma_start3A_34 = tpu.memref_squeeze %dma_start3A_33 : memref<1x624x128xf32, #tpu.memory_space<hbm>> -> memref<624x128xf32, #tpu.memory_space<hbm>>
      %dma_start3A_35 = arith.constant 0 : i32
      %dma_start3A_36 = tpu.memref_slice %arg11[%mul3A_30, %dma_start3A_35] : memref<10112x128xf32, #tpu.memory_space<vmem_shared>> -> memref<624x128xf32, #tpu.memory_space<vmem_shared>>
      tpu.enqueue_dma source(%dma_start3A_36 : memref<624x128xf32, #tpu.memory_space<vmem_shared>>) target(%dma_start3A_34 : memref<624x128xf32, #tpu.memory_space<hbm>>) target_semaphore(%run_scoped3A : memref<!tpu.dma_semaphore, #tpu.memory_space<semaphore_mem>>)
      %dma_wait3A = arith.constant 0 : i32
      %dma_wait3A_37 = tpu.memref_slice %arg5[%arg0, %mul3A_30, %dma_wait3A] : memref<2x10000x128xf32, #tpu.memory_space<hbm>> -> memref<1x624x128xf32, #tpu.memory_space<hbm>>
      %dma_wait3A_38 = tpu.memref_squeeze %dma_wait3A_37 : memref<1x624x128xf32, #tpu.memory_space<hbm>> -> memref<624x128xf32, #tpu.memory_space<hbm>>
      %dma_wait3A_39 = arith.constant 0 : i32
      %dma_wait3A_40 = tpu.memref_slice %arg11[%mul3A_30, %dma_wait3A_39] : memref<10112x128xf32, #tpu.memory_space<vmem_shared>> -> memref<624x128xf32, #tpu.memory_space<vmem_shared>>
      tpu.wait_dma2 semaphore(%run_scoped3A : memref<!tpu.dma_semaphore, #tpu.memory_space<semaphore_mem>>) src(%dma_wait3A_40 : memref<624x128xf32, #tpu.memory_space<vmem_shared>>) dst(%dma_wait3A_38 : memref<624x128xf32, #tpu.memory_space<hbm>>)
      tpu.yield
    }) : () -> ()
    %eq3A = arith.constant 15 : i32
    %eq3A_31 = arith.cmpi eq, %arg1, %eq3A : i32
    %convert_element_type3A = arith.extui %eq3A_31 : i1 to i32
    %cond3A = arith.constant 0 : i32
    %cond3A_32 = arith.cmpi ne, %convert_element_type3A, %cond3A : i32
    scf.if %cond3A_32 {
      "tpu.region"() ({
        %run_scoped3A = tpu.sem_alloc : memref<!tpu.dma_semaphore, #tpu.memory_space<semaphore_mem>>
        %dma_start3A = arith.constant 9984 : i32
        %dma_start3A_33 = arith.constant 0 : i32
        %dma_start3A_34 = tpu.memref_slice %arg5[%arg0, %dma_start3A, %dma_start3A_33] : memref<2x10000x128xf32, #tpu.memory_space<hbm>> -> memref<1x16x128xf32, #tpu.memory_space<hbm>>
        %dma_start3A_35 = tpu.memref_squeeze %dma_start3A_34 : memref<1x16x128xf32, #tpu.memory_space<hbm>> -> memref<16x128xf32, #tpu.memory_space<hbm>>
        %dma_start3A_36 = arith.constant 9984 : i32
        %dma_start3A_37 = arith.constant 0 : i32
        %dma_start3A_38 = tpu.memref_slice %arg11[%dma_start3A_36, %dma_start3A_37] : memref<10112x128xf32, #tpu.memory_space<vmem_shared>> -> memref<16x128xf32, #tpu.memory_space<vmem_shared>>
        tpu.enqueue_dma source(%dma_start3A_38 : memref<16x128xf32, #tpu.memory_space<vmem_shared>>) target(%dma_start3A_35 : memref<16x128xf32, #tpu.memory_space<hbm>>) target_semaphore(%run_scoped3A : memref<!tpu.dma_semaphore, #tpu.memory_space<semaphore_mem>>)
        %dma_wait3A = arith.constant 9984 : i32
        %dma_wait3A_39 = arith.constant 0 : i32
        %dma_wait3A_40 = tpu.memref_slice %arg5[%arg0, %dma_wait3A, %dma_wait3A_39] : memref<2x10000x128xf32, #tpu.memory_space<hbm>> -> memref<1x16x128xf32, #tpu.memory_space<hbm>>
        %dma_wait3A_41 = tpu.memref_squeeze %dma_wait3A_40 : memref<1x16x128xf32, #tpu.memory_space<hbm>> -> memref<16x128xf32, #tpu.memory_space<hbm>>
        %dma_wait3A_42 = arith.constant 9984 : i32
        %dma_wait3A_43 = arith.constant 0 : i32
        %dma_wait3A_44 = tpu.memref_slice %arg11[%dma_wait3A_42, %dma_wait3A_43] : memref<10112x128xf32, #tpu.memory_space<vmem_shared>> -> memref<16x128xf32, #tpu.memory_space<vmem_shared>>
        tpu.wait_dma2 semaphore(%run_scoped3A : memref<!tpu.dma_semaphore, #tpu.memory_space<semaphore_mem>>) src(%dma_wait3A_44 : memref<16x128xf32, #tpu.memory_space<vmem_shared>>) dst(%dma_wait3A_41 : memref<16x128xf32, #tpu.memory_space<hbm>>)
        tpu.yield
      }) : () -> ()
    } else {
    }
    return
  }
}

#map = affine_map<(d0, d1) -> (0)>
#map1 = affine_map<(d0, d1) -> (0, 0)>
#map2 = affine_map<(d0, d1) -> (0, 0, 0)>
module attributes {stable_mosaic.version = 14 : i64} {
  func.func @_sc_scatter_body(%arg0: i32, %arg1: i32, %arg2: memref<327808xi32, #tpu.memory_space<hbm>>, %arg3: memref<327808xi32, #tpu.memory_space<hbm>>, %arg4: memref<10000x128xf32, #tpu.memory_space<hbm>>, %arg5: memref<2x10000x128xf32, #tpu.memory_space<hbm>>, %arg6: memref<128xi32, #tpu.memory_space<vmem>>, %arg7: memref<128xi32, #tpu.memory_space<vmem>>, %arg8: memref<128xi32, #tpu.memory_space<vmem>>, %arg9: memref<128xi32, #tpu.memory_space<vmem>>, %arg10: memref<128x128xf32, #tpu.memory_space<vmem>>, %arg11: memref<10112x128xf32, #tpu.memory_space<vmem_shared>>, %arg12: memref<!tpu.dma_semaphore, #tpu.memory_space<semaphore_mem>>, %arg13: memref<!tpu.dma_semaphore, #tpu.memory_space<semaphore_mem>>) attributes {dimension_semantics = [#tpu.dimension_semantics<core_parallel>, #tpu.dimension_semantics<subcore_parallel>], iteration_bounds = array<i64: 2, 16>, scalar_prefetch = 0 : i64, scratch_operands = 8 : i64, tpu.core_type = #tpu.core_type<sc_vector_subcore>, window_params = [{transform_indices = #map}, {transform_indices = #map}, {transform_indices = #map1}, {transform_indices = #map2}]} {
    %mul3A = arith.constant 16 : i32
    %mul3A_0 = arith.muli %arg0, %mul3A : i32
    %add3A = arith.addi %mul3A_0, %arg1 : i32
    %scan3A = arith.constant 0 : i32
    %scan3A_1 = arith.constant 0 : i32
    %scan3A_2 = arith.constant 128 : i32
    %scan3A_3 = arith.addi %scan3A_1, %scan3A_2 : i32
    %scan3A_4 = arith.constant 1 : i32
    scf.for %scan3A_33 = %scan3A_1 to %scan3A_3 step %scan3A_4  : i32 {
      %broadcast_in_dim3A = arith.constant 0.000000e+00 : f32
      %broadcast_in_dim3A_34 = vector.broadcast %broadcast_in_dim3A : f32 to vector<16xf32>
      %swap3A = arith.index_cast %scan3A_33 : i32 to index
      %swap3A_35 = arith.constant 0 : index
      %swap3A_36 = tpu.vector_load %arg10[%swap3A, %swap3A_35] {strides = array<i32>} : memref<128x128xf32, #tpu.memory_space<vmem>>, vector<1x16xf32>,
      %swap3A_37 = vector.shape_cast %swap3A_36 : vector<1x16xf32> to vector<16xf32>
      %swap3A_38 = vector.shape_cast %broadcast_in_dim3A_34 : vector<16xf32> to vector<1x16xf32>
      tpu.vector_store %arg10[%swap3A, %swap3A_35], %swap3A_38 {strides = array<i32>} : memref<128x128xf32, #tpu.memory_space<vmem>>, vector<1x16xf32>,
      %broadcast_in_dim3A_39 = arith.constant 0.000000e+00 : f32
      %broadcast_in_dim3A_40 = vector.broadcast %broadcast_in_dim3A_39 : f32 to vector<16xf32>
      %swap3A_41 = arith.index_cast %scan3A_33 : i32 to index
      %swap3A_42 = arith.constant 16 : index
      %swap3A_43 = tpu.vector_load %arg10[%swap3A_41, %swap3A_42] {strides = array<i32>} : memref<128x128xf32, #tpu.memory_space<vmem>>, vector<1x16xf32>,
      %swap3A_44 = vector.shape_cast %swap3A_43 : vector<1x16xf32> to vector<16xf32>
      %swap3A_45 = vector.shape_cast %broadcast_in_dim3A_40 : vector<16xf32> to vector<1x16xf32>
      tpu.vector_store %arg10[%swap3A_41, %swap3A_42], %swap3A_45 {strides = array<i32>} : memref<128x128xf32, #tpu.memory_space<vmem>>, vector<1x16xf32>,
      %broadcast_in_dim3A_46 = arith.constant 0.000000e+00 : f32
      %broadcast_in_dim3A_47 = vector.broadcast %broadcast_in_dim3A_46 : f32 to vector<16xf32>
      %swap3A_48 = arith.index_cast %scan3A_33 : i32 to index
      %swap3A_49 = arith.constant 32 : index
      %swap3A_50 = tpu.vector_load %arg10[%swap3A_48, %swap3A_49] {strides = array<i32>} : memref<128x128xf32, #tpu.memory_space<vmem>>, vector<1x16xf32>,
      %swap3A_51 = vector.shape_cast %swap3A_50 : vector<1x16xf32> to vector<16xf32>
      %swap3A_52 = vector.shape_cast %broadcast_in_dim3A_47 : vector<16xf32> to vector<1x16xf32>
      tpu.vector_store %arg10[%swap3A_48, %swap3A_49], %swap3A_52 {strides = array<i32>} : memref<128x128xf32, #tpu.memory_space<vmem>>, vector<1x16xf32>,
      %broadcast_in_dim3A_53 = arith.constant 0.000000e+00 : f32
      %broadcast_in_dim3A_54 = vector.broadcast %broadcast_in_dim3A_53 : f32 to vector<16xf32>
      %swap3A_55 = arith.index_cast %scan3A_33 : i32 to index
      %swap3A_56 = arith.constant 48 : index
      %swap3A_57 = tpu.vector_load %arg10[%swap3A_55, %swap3A_56] {strides = array<i32>} : memref<128x128xf32, #tpu.memory_space<vmem>>, vector<1x16xf32>,
      %swap3A_58 = vector.shape_cast %swap3A_57 : vector<1x16xf32> to vector<16xf32>
      %swap3A_59 = vector.shape_cast %broadcast_in_dim3A_54 : vector<16xf32> to vector<1x16xf32>
      tpu.vector_store %arg10[%swap3A_55, %swap3A_56], %swap3A_59 {strides = array<i32>} : memref<128x128xf32, #tpu.memory_space<vmem>>, vector<1x16xf32>,
      %broadcast_in_dim3A_60 = arith.constant 0.000000e+00 : f32
      %broadcast_in_dim3A_61 = vector.broadcast %broadcast_in_dim3A_60 : f32 to vector<16xf32>
      %swap3A_62 = arith.index_cast %scan3A_33 : i32 to index
      %swap3A_63 = arith.constant 64 : index
      %swap3A_64 = tpu.vector_load %arg10[%swap3A_62, %swap3A_63] {strides = array<i32>} : memref<128x128xf32, #tpu.memory_space<vmem>>, vector<1x16xf32>,
      %swap3A_65 = vector.shape_cast %swap3A_64 : vector<1x16xf32> to vector<16xf32>
      %swap3A_66 = vector.shape_cast %broadcast_in_dim3A_61 : vector<16xf32> to vector<1x16xf32>
      tpu.vector_store %arg10[%swap3A_62, %swap3A_63], %swap3A_66 {strides = array<i32>} : memref<128x128xf32, #tpu.memory_space<vmem>>, vector<1x16xf32>,
      %broadcast_in_dim3A_67 = arith.constant 0.000000e+00 : f32
      %broadcast_in_dim3A_68 = vector.broadcast %broadcast_in_dim3A_67 : f32 to vector<16xf32>
      %swap3A_69 = arith.index_cast %scan3A_33 : i32 to index
      %swap3A_70 = arith.constant 80 : index
      %swap3A_71 = tpu.vector_load %arg10[%swap3A_69, %swap3A_70] {strides = array<i32>} : memref<128x128xf32, #tpu.memory_space<vmem>>, vector<1x16xf32>,
      %swap3A_72 = vector.shape_cast %swap3A_71 : vector<1x16xf32> to vector<16xf32>
      %swap3A_73 = vector.shape_cast %broadcast_in_dim3A_68 : vector<16xf32> to vector<1x16xf32>
      tpu.vector_store %arg10[%swap3A_69, %swap3A_70], %swap3A_73 {strides = array<i32>} : memref<128x128xf32, #tpu.memory_space<vmem>>, vector<1x16xf32>,
      %broadcast_in_dim3A_74 = arith.constant 0.000000e+00 : f32
      %broadcast_in_dim3A_75 = vector.broadcast %broadcast_in_dim3A_74 : f32 to vector<16xf32>
      %swap3A_76 = arith.index_cast %scan3A_33 : i32 to index
      %swap3A_77 = arith.constant 96 : index
      %swap3A_78 = tpu.vector_load %arg10[%swap3A_76, %swap3A_77] {strides = array<i32>} : memref<128x128xf32, #tpu.memory_space<vmem>>, vector<1x16xf32>,
      %swap3A_79 = vector.shape_cast %swap3A_78 : vector<1x16xf32> to vector<16xf32>
      %swap3A_80 = vector.shape_cast %broadcast_in_dim3A_75 : vector<16xf32> to vector<1x16xf32>
      tpu.vector_store %arg10[%swap3A_76, %swap3A_77], %swap3A_80 {strides = array<i32>} : memref<128x128xf32, #tpu.memory_space<vmem>>, vector<1x16xf32>,
      %broadcast_in_dim3A_81 = arith.constant 0.000000e+00 : f32
      %broadcast_in_dim3A_82 = vector.broadcast %broadcast_in_dim3A_81 : f32 to vector<16xf32>
      %swap3A_83 = arith.index_cast %scan3A_33 : i32 to index
      %swap3A_84 = arith.constant 112 : index
      %swap3A_85 = tpu.vector_load %arg10[%swap3A_83, %swap3A_84] {strides = array<i32>} : memref<128x128xf32, #tpu.memory_space<vmem>>, vector<1x16xf32>,
      %swap3A_86 = vector.shape_cast %swap3A_85 : vector<1x16xf32> to vector<16xf32>
      %swap3A_87 = vector.shape_cast %broadcast_in_dim3A_82 : vector<16xf32> to vector<1x16xf32>
      tpu.vector_store %arg10[%swap3A_83, %swap3A_84], %swap3A_87 {strides = array<i32>} : memref<128x128xf32, #tpu.memory_space<vmem>>, vector<1x16xf32>,
    }
    %scan3A_5 = arith.constant 128 : i32
    %mul3A_6 = arith.constant 632 : i32
    %mul3A_7 = arith.muli %arg1, %mul3A_6 : i32
    %add3A_8 = arith.constant 0 : i32
    %add3A_9 = arith.addi %mul3A_7, %add3A_8 : i32
    "tpu.region"() ({
      %run_scoped3A = tpu.sem_alloc : memref<!tpu.dma_semaphore, #tpu.memory_space<semaphore_mem>>
      %dma_start3A = arith.constant 0 : i32
      %dma_start3A_33 = tpu.memref_slice %arg11[%add3A_9, %dma_start3A] : memref<10112x128xf32, #tpu.memory_space<vmem_shared>> -> memref<128x128xf32, #tpu.memory_space<vmem_shared>>
      %dma_start3A_34 = arith.constant 0 : i32
      %dma_start3A_35 = tpu.memref_slice %arg11[%add3A_9, %dma_start3A_34] : memref<10112x128xf32, #tpu.memory_space<vmem_shared>> -> memref<128x128xf32, #tpu.memory_space<vmem_shared>>
      tpu.enqueue_dma source(%arg10 : memref<128x128xf32, #tpu.memory_space<vmem>>) target(%dma_start3A_35 : memref<128x128xf32, #tpu.memory_space<vmem_shared>>) target_semaphore(%run_scoped3A : memref<!tpu.dma_semaphore, #tpu.memory_space<semaphore_mem>>)
      %dma_wait3A = arith.constant 0 : i32
      %dma_wait3A_36 = tpu.memref_slice %arg11[%add3A_9, %dma_wait3A] : memref<10112x128xf32, #tpu.memory_space<vmem_shared>> -> memref<128x128xf32, #tpu.memory_space<vmem_shared>>
      %dma_wait3A_37 = arith.constant 0 : i32
      %dma_wait3A_38 = tpu.memref_slice %arg11[%add3A_9, %dma_wait3A_37] : memref<10112x128xf32, #tpu.memory_space<vmem_shared>> -> memref<128x128xf32, #tpu.memory_space<vmem_shared>>
      tpu.wait_dma2 semaphore(%run_scoped3A : memref<!tpu.dma_semaphore, #tpu.memory_space<semaphore_mem>>) src(%arg10 : memref<128x128xf32, #tpu.memory_space<vmem>>) dst(%dma_wait3A_38 : memref<128x128xf32, #tpu.memory_space<vmem_shared>>)
      tpu.yield
    }) : () -> ()
    %add3A_10 = arith.constant 128 : i32
    %add3A_11 = arith.addi %mul3A_7, %add3A_10 : i32
    "tpu.region"() ({
      %run_scoped3A = tpu.sem_alloc : memref<!tpu.dma_semaphore, #tpu.memory_space<semaphore_mem>>
      %dma_start3A = arith.constant 0 : i32
      %dma_start3A_33 = tpu.memref_slice %arg11[%add3A_11, %dma_start3A] : memref<10112x128xf32, #tpu.memory_space<vmem_shared>> -> memref<128x128xf32, #tpu.memory_space<vmem_shared>>
      %dma_start3A_34 = arith.constant 0 : i32
      %dma_start3A_35 = tpu.memref_slice %arg11[%add3A_11, %dma_start3A_34] : memref<10112x128xf32, #tpu.memory_space<vmem_shared>> -> memref<128x128xf32, #tpu.memory_space<vmem_shared>>
      tpu.enqueue_dma source(%arg10 : memref<128x128xf32, #tpu.memory_space<vmem>>) target(%dma_start3A_35 : memref<128x128xf32, #tpu.memory_space<vmem_shared>>) target_semaphore(%run_scoped3A : memref<!tpu.dma_semaphore, #tpu.memory_space<semaphore_mem>>)
      %dma_wait3A = arith.constant 0 : i32
      %dma_wait3A_36 = tpu.memref_slice %arg11[%add3A_11, %dma_wait3A] : memref<10112x128xf32, #tpu.memory_space<vmem_shared>> -> memref<128x128xf32, #tpu.memory_space<vmem_shared>>
      %dma_wait3A_37 = arith.constant 0 : i32
      %dma_wait3A_38 = tpu.memref_slice %arg11[%add3A_11, %dma_wait3A_37] : memref<10112x128xf32, #tpu.memory_space<vmem_shared>> -> memref<128x128xf32, #tpu.memory_space<vmem_shared>>
      tpu.wait_dma2 semaphore(%run_scoped3A : memref<!tpu.dma_semaphore, #tpu.memory_space<semaphore_mem>>) src(%arg10 : memref<128x128xf32, #tpu.memory_space<vmem>>) dst(%dma_wait3A_38 : memref<128x128xf32, #tpu.memory_space<vmem_shared>>)
      tpu.yield
    }) : () -> ()
    %add3A_12 = arith.constant 256 : i32
    %add3A_13 = arith.addi %mul3A_7, %add3A_12 : i32
    "tpu.region"() ({
      %run_scoped3A = tpu.sem_alloc : memref<!tpu.dma_semaphore, #tpu.memory_space<semaphore_mem>>
      %dma_start3A = arith.constant 0 : i32
      %dma_start3A_33 = tpu.memref_slice %arg11[%add3A_13, %dma_start3A] : memref<10112x128xf32, #tpu.memory_space<vmem_shared>> -> memref<128x128xf32, #tpu.memory_space<vmem_shared>>
      %dma_start3A_34 = arith.constant 0 : i32
      %dma_start3A_35 = tpu.memref_slice %arg11[%add3A_13, %dma_start3A_34] : memref<10112x128xf32, #tpu.memory_space<vmem_shared>> -> memref<128x128xf32, #tpu.memory_space<vmem_shared>>
      tpu.enqueue_dma source(%arg10 : memref<128x128xf32, #tpu.memory_space<vmem>>) target(%dma_start3A_35 : memref<128x128xf32, #tpu.memory_space<vmem_shared>>) target_semaphore(%run_scoped3A : memref<!tpu.dma_semaphore, #tpu.memory_space<semaphore_mem>>)
      %dma_wait3A = arith.constant 0 : i32
      %dma_wait3A_36 = tpu.memref_slice %arg11[%add3A_13, %dma_wait3A] : memref<10112x128xf32, #tpu.memory_space<vmem_shared>> -> memref<128x128xf32, #tpu.memory_space<vmem_shared>>
      %dma_wait3A_37 = arith.constant 0 : i32
      %dma_wait3A_38 = tpu.memref_slice %arg11[%add3A_13, %dma_wait3A_37] : memref<10112x128xf32, #tpu.memory_space<vmem_shared>> -> memref<128x128xf32, #tpu.memory_space<vmem_shared>>
      tpu.wait_dma2 semaphore(%run_scoped3A : memref<!tpu.dma_semaphore, #tpu.memory_space<semaphore_mem>>) src(%arg10 : memref<128x128xf32, #tpu.memory_space<vmem>>) dst(%dma_wait3A_38 : memref<128x128xf32, #tpu.memory_space<vmem_shared>>)
      tpu.yield
    }) : () -> ()
    %add3A_14 = arith.constant 384 : i32
    %add3A_15 = arith.addi %mul3A_7, %add3A_14 : i32
    "tpu.region"() ({
      %run_scoped3A = tpu.sem_alloc : memref<!tpu.dma_semaphore, #tpu.memory_space<semaphore_mem>>
      %dma_start3A = arith.constant 0 : i32
      %dma_start3A_33 = tpu.memref_slice %arg11[%add3A_15, %dma_start3A] : memref<10112x128xf32, #tpu.memory_space<vmem_shared>> -> memref<128x128xf32, #tpu.memory_space<vmem_shared>>
      %dma_start3A_34 = arith.constant 0 : i32
      %dma_start3A_35 = tpu.memref_slice %arg11[%add3A_15, %dma_start3A_34] : memref<10112x128xf32, #tpu.memory_space<vmem_shared>> -> memref<128x128xf32, #tpu.memory_space<vmem_shared>>
      tpu.enqueue_dma source(%arg10 : memref<128x128xf32, #tpu.memory_space<vmem>>) target(%dma_start3A_35 : memref<128x128xf32, #tpu.memory_space<vmem_shared>>) target_semaphore(%run_scoped3A : memref<!tpu.dma_semaphore, #tpu.memory_space<semaphore_mem>>)
      %dma_wait3A = arith.constant 0 : i32
      %dma_wait3A_36 = tpu.memref_slice %arg11[%add3A_15, %dma_wait3A] : memref<10112x128xf32, #tpu.memory_space<vmem_shared>> -> memref<128x128xf32, #tpu.memory_space<vmem_shared>>
      %dma_wait3A_37 = arith.constant 0 : i32
      %dma_wait3A_38 = tpu.memref_slice %arg11[%add3A_15, %dma_wait3A_37] : memref<10112x128xf32, #tpu.memory_space<vmem_shared>> -> memref<128x128xf32, #tpu.memory_space<vmem_shared>>
      tpu.wait_dma2 semaphore(%run_scoped3A : memref<!tpu.dma_semaphore, #tpu.memory_space<semaphore_mem>>) src(%arg10 : memref<128x128xf32, #tpu.memory_space<vmem>>) dst(%dma_wait3A_38 : memref<128x128xf32, #tpu.memory_space<vmem_shared>>)
      tpu.yield
    }) : () -> ()
    %add3A_16 = arith.constant 512 : i32
    %add3A_17 = arith.addi %mul3A_7, %add3A_16 : i32
    "tpu.region"() ({
      %run_scoped3A = tpu.sem_alloc : memref<!tpu.dma_semaphore, #tpu.memory_space<semaphore_mem>>
      %dma_start3A = arith.constant 0 : i32
      %dma_start3A_33 = arith.constant 0 : i32
      %dma_start3A_34 = tpu.memref_slice %arg10[%dma_start3A, %dma_start3A_33] : memref<128x128xf32, #tpu.memory_space<vmem>> -> memref<120x128xf32, #tpu.memory_space<vmem>>
      %dma_start3A_35 = arith.constant 0 : i32
      %dma_start3A_36 = tpu.memref_slice %arg11[%add3A_17, %dma_start3A_35] : memref<10112x128xf32, #tpu.memory_space<vmem_shared>> -> memref<120x128xf32, #tpu.memory_space<vmem_shared>>
      %dma_start3A_37 = arith.constant 0 : i32
      %dma_start3A_38 = tpu.memref_slice %arg11[%add3A_17, %dma_start3A_37] : memref<10112x128xf32, #tpu.memory_space<vmem_shared>> -> memref<120x128xf32, #tpu.memory_space<vmem_shared>>
      %dma_start3A_39 = arith.constant 0 : i32
      %dma_start3A_40 = arith.constant 0 : i32
      %dma_start3A_41 = tpu.memref_slice %arg10[%dma_start3A_39, %dma_start3A_40] : memref<128x128xf32, #tpu.memory_space<vmem>> -> memref<120x128xf32, #tpu.memory_space<vmem>>
      tpu.enqueue_dma source(%dma_start3A_41 : memref<120x128xf32, #tpu.memory_space<vmem>>) target(%dma_start3A_38 : memref<120x128xf32, #tpu.memory_space<vmem_shared>>) target_semaphore(%run_scoped3A : memref<!tpu.dma_semaphore, #tpu.memory_space<semaphore_mem>>)
      %dma_wait3A = arith.constant 0 : i32
      %dma_wait3A_42 = arith.constant 0 : i32
      %dma_wait3A_43 = tpu.memref_slice %arg10[%dma_wait3A, %dma_wait3A_42] : memref<128x128xf32, #tpu.memory_space<vmem>> -> memref<120x128xf32, #tpu.memory_space<vmem>>
      %dma_wait3A_44 = arith.constant 0 : i32
      %dma_wait3A_45 = tpu.memref_slice %arg11[%add3A_17, %dma_wait3A_44] : memref<10112x128xf32, #tpu.memory_space<vmem_shared>> -> memref<120x128xf32, #tpu.memory_space<vmem_shared>>
      %dma_wait3A_46 = arith.constant 0 : i32
      %dma_wait3A_47 = tpu.memref_slice %arg11[%add3A_17, %dma_wait3A_46] : memref<10112x128xf32, #tpu.memory_space<vmem_shared>> -> memref<120x128xf32, #tpu.memory_space<vmem_shared>>
      %dma_wait3A_48 = arith.constant 0 : i32
      %dma_wait3A_49 = arith.constant 0 : i32
      %dma_wait3A_50 = tpu.memref_slice %arg10[%dma_wait3A_48, %dma_wait3A_49] : memref<128x128xf32, #tpu.memory_space<vmem>> -> memref<120x128xf32, #tpu.memory_space<vmem>>
      tpu.wait_dma2 semaphore(%run_scoped3A : memref<!tpu.dma_semaphore, #tpu.memory_space<semaphore_mem>>) src(%dma_wait3A_50 : memref<120x128xf32, #tpu.memory_space<vmem>>) dst(%dma_wait3A_47 : memref<120x128xf32, #tpu.memory_space<vmem_shared>>)
      tpu.yield
    }) : () -> ()
    %barrier3A = arith.constant 0 : index
    tpu.barrier barrier_id(%barrier3A)
    %mul3A_18 = arith.constant 10240 : i32
    %mul3A_19 = arith.muli %add3A, %mul3A_18 : i32
    %add3A_20 = arith.constant 0 : i32
    %add3A_21 = arith.addi %mul3A_19, %add3A_20 : i32
    "tpu.region"() ({
      %run_scoped3A = tpu.sem_alloc : memref<!tpu.dma_semaphore, #tpu.memory_space<semaphore_mem>>
      %dma_start3A = tpu.memref_slice %arg2[%add3A_21] : memref<327808xi32, #tpu.memory_space<hbm>> -> memref<128xi32, #tpu.memory_space<hbm>>
      %dma_start3A_33 = tpu.memref_slice %arg2[%add3A_21] : memref<327808xi32, #tpu.memory_space<hbm>> -> memref<128xi32, #tpu.memory_space<hbm>>
      tpu.enqueue_dma source(%dma_start3A_33 : memref<128xi32, #tpu.memory_space<hbm>>) target(%arg6 : memref<128xi32, #tpu.memory_space<vmem>>) target_semaphore(%run_scoped3A : memref<!tpu.dma_semaphore, #tpu.memory_space<semaphore_mem>>)
      %dma_wait3A = tpu.memref_slice %arg2[%add3A_21] : memref<327808xi32, #tpu.memory_space<hbm>> -> memref<128xi32, #tpu.memory_space<hbm>>
      %dma_wait3A_34 = tpu.memref_slice %arg2[%add3A_21] : memref<327808xi32, #tpu.memory_space<hbm>> -> memref<128xi32, #tpu.memory_space<hbm>>
      tpu.wait_dma2 semaphore(%run_scoped3A : memref<!tpu.dma_semaphore, #tpu.memory_space<semaphore_mem>>) src(%dma_wait3A_34 : memref<128xi32, #tpu.memory_space<hbm>>) dst(%arg6 : memref<128xi32, #tpu.memory_space<vmem>>)
      tpu.yield
    }) : () -> ()
    "tpu.region"() ({
      %run_scoped3A = tpu.sem_alloc : memref<!tpu.dma_semaphore, #tpu.memory_space<semaphore_mem>>
      %dma_start3A = tpu.memref_slice %arg3[%add3A_21] : memref<327808xi32, #tpu.memory_space<hbm>> -> memref<128xi32, #tpu.memory_space<hbm>>
      %dma_start3A_33 = tpu.memref_slice %arg3[%add3A_21] : memref<327808xi32, #tpu.memory_space<hbm>> -> memref<128xi32, #tpu.memory_space<hbm>>
      tpu.enqueue_dma source(%dma_start3A_33 : memref<128xi32, #tpu.memory_space<hbm>>) target(%arg7 : memref<128xi32, #tpu.memory_space<vmem>>) target_semaphore(%run_scoped3A : memref<!tpu.dma_semaphore, #tpu.memory_space<semaphore_mem>>)
      %dma_wait3A = tpu.memref_slice %arg3[%add3A_21] : memref<327808xi32, #tpu.memory_space<hbm>> -> memref<128xi32, #tpu.memory_space<hbm>>
      %dma_wait3A_34 = tpu.memref_slice %arg3[%add3A_21] : memref<327808xi32, #tpu.memory_space<hbm>> -> memref<128xi32, #tpu.memory_space<hbm>>
      tpu.wait_dma2 semaphore(%run_scoped3A : memref<!tpu.dma_semaphore, #tpu.memory_space<semaphore_mem>>) src(%dma_wait3A_34 : memref<128xi32, #tpu.memory_space<hbm>>) dst(%arg7 : memref<128xi32, #tpu.memory_space<vmem>>)
      tpu.yield
    }) : () -> ()
    %scan3A_22 = arith.constant 0 : i32
    %scan3A_23 = arith.constant 0 : i32
    %scan3A_24 = arith.constant 40 : i32
    %scan3A_25 = arith.addi %scan3A_23, %scan3A_24 : i32
    %scan3A_26 = arith.constant 1 : i32
    scf.for %scan3A_33 = %scan3A_23 to %scan3A_25 step %scan3A_26  : i32 {
      %mul3A_34 = arith.constant 2 : i32
      %mul3A_35 = arith.muli %mul3A_34, %scan3A_33 : i32
      %dma_start3A = arith.constant 0 : i32
      %dma_start3A_36 = arith.constant 0 : i32
      %dma_start3A_37 = tpu.memref_slice %arg4[%dma_start3A, %dma_start3A_36] : memref<10000x128xf32, #tpu.memory_space<hbm>> -> memref<10000x128xf32, #tpu.memory_space<hbm>>
      tpu.enqueue_indirect_dma source(%dma_start3A_37 : memref<10000x128xf32, #tpu.memory_space<hbm>>) target(%arg10 : memref<128x128xf32, #tpu.memory_space<vmem>>) offsets(%arg6 : memref<128xi32, #tpu.memory_space<vmem>>) semaphore(%arg12 : memref<!tpu.dma_semaphore, #tpu.memory_space<semaphore_mem>>)
      %add3A_38 = arith.constant 1 : i32
      %add3A_39 = arith.addi %mul3A_35, %add3A_38 : i32
      %mul3A_40 = arith.constant 10240 : i32
      %mul3A_41 = arith.muli %add3A, %mul3A_40 : i32
      %mul3A_42 = arith.constant 128 : i32
      %mul3A_43 = arith.muli %add3A_39, %mul3A_42 : i32
      %add3A_44 = arith.addi %mul3A_41, %mul3A_43 : i32
      "tpu.region"() ({
        %run_scoped3A = tpu.sem_alloc : memref<!tpu.dma_semaphore, #tpu.memory_space<semaphore_mem>>
        %dma_start3A_76 = tpu.memref_slice %arg2[%add3A_44] : memref<327808xi32, #tpu.memory_space<hbm>> -> memref<128xi32, #tpu.memory_space<hbm>>
        %dma_start3A_77 = tpu.memref_slice %arg2[%add3A_44] : memref<327808xi32, #tpu.memory_space<hbm>> -> memref<128xi32, #tpu.memory_space<hbm>>
        tpu.enqueue_dma source(%dma_start3A_77 : memref<128xi32, #tpu.memory_space<hbm>>) target(%arg8 : memref<128xi32, #tpu.memory_space<vmem>>) target_semaphore(%run_scoped3A : memref<!tpu.dma_semaphore, #tpu.memory_space<semaphore_mem>>)
        %dma_wait3A_78 = tpu.memref_slice %arg2[%add3A_44] : memref<327808xi32, #tpu.memory_space<hbm>> -> memref<128xi32, #tpu.memory_space<hbm>>
        %dma_wait3A_79 = tpu.memref_slice %arg2[%add3A_44] : memref<327808xi32, #tpu.memory_space<hbm>> -> memref<128xi32, #tpu.memory_space<hbm>>
        tpu.wait_dma2 semaphore(%run_scoped3A : memref<!tpu.dma_semaphore, #tpu.memory_space<semaphore_mem>>) src(%dma_wait3A_79 : memref<128xi32, #tpu.memory_space<hbm>>) dst(%arg8 : memref<128xi32, #tpu.memory_space<vmem>>)
        tpu.yield
      }) : () -> ()
      "tpu.region"() ({
        %run_scoped3A = tpu.sem_alloc : memref<!tpu.dma_semaphore, #tpu.memory_space<semaphore_mem>>
        %dma_start3A_76 = tpu.memref_slice %arg3[%add3A_44] : memref<327808xi32, #tpu.memory_space<hbm>> -> memref<128xi32, #tpu.memory_space<hbm>>
        %dma_start3A_77 = tpu.memref_slice %arg3[%add3A_44] : memref<327808xi32, #tpu.memory_space<hbm>> -> memref<128xi32, #tpu.memory_space<hbm>>
        tpu.enqueue_dma source(%dma_start3A_77 : memref<128xi32, #tpu.memory_space<hbm>>) target(%arg9 : memref<128xi32, #tpu.memory_space<vmem>>) target_semaphore(%run_scoped3A : memref<!tpu.dma_semaphore, #tpu.memory_space<semaphore_mem>>)
        %dma_wait3A_78 = tpu.memref_slice %arg3[%add3A_44] : memref<327808xi32, #tpu.memory_space<hbm>> -> memref<128xi32, #tpu.memory_space<hbm>>
        %dma_wait3A_79 = tpu.memref_slice %arg3[%add3A_44] : memref<327808xi32, #tpu.memory_space<hbm>> -> memref<128xi32, #tpu.memory_space<hbm>>
        tpu.wait_dma2 semaphore(%run_scoped3A : memref<!tpu.dma_semaphore, #tpu.memory_space<semaphore_mem>>) src(%dma_wait3A_79 : memref<128xi32, #tpu.memory_space<hbm>>) dst(%arg9 : memref<128xi32, #tpu.memory_space<vmem>>)
        tpu.yield
      }) : () -> ()
      %dma_wait3A = arith.constant 0 : i32
      %dma_wait3A_45 = arith.constant 0 : i32
      %dma_wait3A_46 = tpu.memref_slice %arg4[%dma_wait3A, %dma_wait3A_45] : memref<10000x128xf32, #tpu.memory_space<hbm>> -> memref<10000x128xf32, #tpu.memory_space<hbm>>
      tpu.wait_indirect_dma semaphore(%arg12 : memref<!tpu.dma_semaphore, #tpu.memory_space<semaphore_mem>>) src(%dma_wait3A_46 : memref<10000x128xf32, #tpu.memory_space<hbm>>) dst(%arg10 : memref<128x128xf32, #tpu.memory_space<vmem>>)
      %dma_start3A_47 = arith.constant 0 : i32
      %dma_start3A_48 = arith.constant 0 : i32
      %dma_start3A_49 = tpu.memref_slice %arg11[%dma_start3A_47, %dma_start3A_48] : memref<10112x128xf32, #tpu.memory_space<vmem_shared>> -> memref<10112x128xf32, #tpu.memory_space<vmem_shared>>
      tpu.enqueue_indirect_dma source(%arg10 : memref<128x128xf32, #tpu.memory_space<vmem>>) target(%dma_start3A_49 : memref<10112x128xf32, #tpu.memory_space<vmem_shared>>) offsets(%arg7 : memref<128xi32, #tpu.memory_space<vmem>>) semaphore(%arg13 : memref<!tpu.dma_semaphore, #tpu.memory_space<semaphore_mem>>) {add = true}
      %dma_wait3A_50 = arith.constant 0 : i32
      %dma_wait3A_51 = arith.constant 0 : i32
      %dma_wait3A_52 = tpu.memref_slice %arg11[%dma_wait3A_50, %dma_wait3A_51] : memref<10112x128xf32, #tpu.memory_space<vmem_shared>> -> memref<10112x128xf32, #tpu.memory_space<vmem_shared>>
      tpu.wait_indirect_dma semaphore(%arg13 : memref<!tpu.dma_semaphore, #tpu.memory_space<semaphore_mem>>) src(%arg10 : memref<128x128xf32, #tpu.memory_space<vmem>>) dst(%dma_wait3A_52 : memref<10112x128xf32, #tpu.memory_space<vmem_shared>>)
      %mul3A_53 = arith.constant 2 : i32
      %mul3A_54 = arith.muli %mul3A_53, %scan3A_33 : i32
      %add3A_55 = arith.constant 1 : i32
      %add3A_56 = arith.addi %mul3A_54, %add3A_55 : i32
      %dma_start3A_57 = arith.constant 0 : i32
      %dma_start3A_58 = arith.constant 0 : i32
      %dma_start3A_59 = tpu.memref_slice %arg4[%dma_start3A_57, %dma_start3A_58] : memref<10000x128xf32, #tpu.memory_space<hbm>> -> memref<10000x128xf32, #tpu.memory_space<hbm>>
      tpu.enqueue_indirect_dma source(%dma_start3A_59 : memref<10000x128xf32, #tpu.memory_space<hbm>>) target(%arg10 : memref<128x128xf32, #tpu.memory_space<vmem>>) offsets(%arg8 : memref<128xi32, #tpu.memory_space<vmem>>) semaphore(%arg12 : memref<!tpu.dma_semaphore, #tpu.memory_space<semaphore_mem>>)
      %add3A_60 = arith.constant 1 : i32
      %add3A_61 = arith.addi %add3A_56, %add3A_60 : i32
      %mul3A_62 = arith.constant 10240 : i32
      %mul3A_63 = arith.muli %add3A, %mul3A_62 : i32
      %mul3A_64 = arith.constant 128 : i32
      %mul3A_65 = arith.muli %add3A_61, %mul3A_64 : i32
      %add3A_66 = arith.addi %mul3A_63, %mul3A_65 : i32
      "tpu.region"() ({
        %run_scoped3A = tpu.sem_alloc : memref<!tpu.dma_semaphore, #tpu.memory_space<semaphore_mem>>
        %dma_start3A_76 = tpu.memref_slice %arg2[%add3A_66] : memref<327808xi32, #tpu.memory_space<hbm>> -> memref<128xi32, #tpu.memory_space<hbm>>
        %dma_start3A_77 = tpu.memref_slice %arg2[%add3A_66] : memref<327808xi32, #tpu.memory_space<hbm>> -> memref<128xi32, #tpu.memory_space<hbm>>
        tpu.enqueue_dma source(%dma_start3A_77 : memref<128xi32, #tpu.memory_space<hbm>>) target(%arg6 : memref<128xi32, #tpu.memory_space<vmem>>) target_semaphore(%run_scoped3A : memref<!tpu.dma_semaphore, #tpu.memory_space<semaphore_mem>>)
        %dma_wait3A_78 = tpu.memref_slice %arg2[%add3A_66] : memref<327808xi32, #tpu.memory_space<hbm>> -> memref<128xi32, #tpu.memory_space<hbm>>
        %dma_wait3A_79 = tpu.memref_slice %arg2[%add3A_66] : memref<327808xi32, #tpu.memory_space<hbm>> -> memref<128xi32, #tpu.memory_space<hbm>>
        tpu.wait_dma2 semaphore(%run_scoped3A : memref<!tpu.dma_semaphore, #tpu.memory_space<semaphore_mem>>) src(%dma_wait3A_79 : memref<128xi32, #tpu.memory_space<hbm>>) dst(%arg6 : memref<128xi32, #tpu.memory_space<vmem>>)
        tpu.yield
      }) : () -> ()
      "tpu.region"() ({
        %run_scoped3A = tpu.sem_alloc : memref<!tpu.dma_semaphore, #tpu.memory_space<semaphore_mem>>
        %dma_start3A_76 = tpu.memref_slice %arg3[%add3A_66] : memref<327808xi32, #tpu.memory_space<hbm>> -> memref<128xi32, #tpu.memory_space<hbm>>
        %dma_start3A_77 = tpu.memref_slice %arg3[%add3A_66] : memref<327808xi32, #tpu.memory_space<hbm>> -> memref<128xi32, #tpu.memory_space<hbm>>
        tpu.enqueue_dma source(%dma_start3A_77 : memref<128xi32, #tpu.memory_space<hbm>>) target(%arg7 : memref<128xi32, #tpu.memory_space<vmem>>) target_semaphore(%run_scoped3A : memref<!tpu.dma_semaphore, #tpu.memory_space<semaphore_mem>>)
        %dma_wait3A_78 = tpu.memref_slice %arg3[%add3A_66] : memref<327808xi32, #tpu.memory_space<hbm>> -> memref<128xi32, #tpu.memory_space<hbm>>
        %dma_wait3A_79 = tpu.memref_slice %arg3[%add3A_66] : memref<327808xi32, #tpu.memory_space<hbm>> -> memref<128xi32, #tpu.memory_space<hbm>>
        tpu.wait_dma2 semaphore(%run_scoped3A : memref<!tpu.dma_semaphore, #tpu.memory_space<semaphore_mem>>) src(%dma_wait3A_79 : memref<128xi32, #tpu.memory_space<hbm>>) dst(%arg7 : memref<128xi32, #tpu.memory_space<vmem>>)
        tpu.yield
      }) : () -> ()
      %dma_wait3A_67 = arith.constant 0 : i32
      %dma_wait3A_68 = arith.constant 0 : i32
      %dma_wait3A_69 = tpu.memref_slice %arg4[%dma_wait3A_67, %dma_wait3A_68] : memref<10000x128xf32, #tpu.memory_space<hbm>> -> memref<10000x128xf32, #tpu.memory_space<hbm>>
      tpu.wait_indirect_dma semaphore(%arg12 : memref<!tpu.dma_semaphore, #tpu.memory_space<semaphore_mem>>) src(%dma_wait3A_69 : memref<10000x128xf32, #tpu.memory_space<hbm>>) dst(%arg10 : memref<128x128xf32, #tpu.memory_space<vmem>>)
      %dma_start3A_70 = arith.constant 0 : i32
      %dma_start3A_71 = arith.constant 0 : i32
      %dma_start3A_72 = tpu.memref_slice %arg11[%dma_start3A_70, %dma_start3A_71] : memref<10112x128xf32, #tpu.memory_space<vmem_shared>> -> memref<10112x128xf32, #tpu.memory_space<vmem_shared>>
      tpu.enqueue_indirect_dma source(%arg10 : memref<128x128xf32, #tpu.memory_space<vmem>>) target(%dma_start3A_72 : memref<10112x128xf32, #tpu.memory_space<vmem_shared>>) offsets(%arg9 : memref<128xi32, #tpu.memory_space<vmem>>) semaphore(%arg13 : memref<!tpu.dma_semaphore, #tpu.memory_space<semaphore_mem>>) {add = true}
      %dma_wait3A_73 = arith.constant 0 : i32
      %dma_wait3A_74 = arith.constant 0 : i32
      %dma_wait3A_75 = tpu.memref_slice %arg11[%dma_wait3A_73, %dma_wait3A_74] : memref<10112x128xf32, #tpu.memory_space<vmem_shared>> -> memref<10112x128xf32, #tpu.memory_space<vmem_shared>>
      tpu.wait_indirect_dma semaphore(%arg13 : memref<!tpu.dma_semaphore, #tpu.memory_space<semaphore_mem>>) src(%arg10 : memref<128x128xf32, #tpu.memory_space<vmem>>) dst(%dma_wait3A_75 : memref<10112x128xf32, #tpu.memory_space<vmem_shared>>)
    }
    %scan3A_27 = arith.constant 40 : i32
    %barrier3A_28 = arith.constant 0 : index
    tpu.barrier barrier_id(%barrier3A_28)
    %mul3A_29 = arith.constant 624 : i32
    %mul3A_30 = arith.muli %arg1, %mul3A_29 : i32
    "tpu.region"() ({
      %run_scoped3A = tpu.sem_alloc : memref<!tpu.dma_semaphore, #tpu.memory_space<semaphore_mem>>
      %dma_start3A = arith.constant 0 : i32
      %dma_start3A_33 = tpu.memref_slice %arg5[%arg0, %mul3A_30, %dma_start3A] : memref<2x10000x128xf32, #tpu.memory_space<hbm>> -> memref<1x624x128xf32, #tpu.memory_space<hbm>>
      %dma_start3A_34 = tpu.memref_squeeze %dma_start3A_33 : memref<1x624x128xf32, #tpu.memory_space<hbm>> -> memref<624x128xf32, #tpu.memory_space<hbm>>
      %dma_start3A_35 = arith.constant 0 : i32
      %dma_start3A_36 = tpu.memref_slice %arg11[%mul3A_30, %dma_start3A_35] : memref<10112x128xf32, #tpu.memory_space<vmem_shared>> -> memref<624x128xf32, #tpu.memory_space<vmem_shared>>
      tpu.enqueue_dma source(%dma_start3A_36 : memref<624x128xf32, #tpu.memory_space<vmem_shared>>) target(%dma_start3A_34 : memref<624x128xf32, #tpu.memory_space<hbm>>) target_semaphore(%run_scoped3A : memref<!tpu.dma_semaphore, #tpu.memory_space<semaphore_mem>>)
      %dma_wait3A = arith.constant 0 : i32
      %dma_wait3A_37 = tpu.memref_slice %arg5[%arg0, %mul3A_30, %dma_wait3A] : memref<2x10000x128xf32, #tpu.memory_space<hbm>> -> memref<1x624x128xf32, #tpu.memory_space<hbm>>
      %dma_wait3A_38 = tpu.memref_squeeze %dma_wait3A_37 : memref<1x624x128xf32, #tpu.memory_space<hbm>> -> memref<624x128xf32, #tpu.memory_space<hbm>>
      %dma_wait3A_39 = arith.constant 0 : i32
      %dma_wait3A_40 = tpu.memref_slice %arg11[%mul3A_30, %dma_wait3A_39] : memref<10112x128xf32, #tpu.memory_space<vmem_shared>> -> memref<624x128xf32, #tpu.memory_space<vmem_shared>>
      tpu.wait_dma2 semaphore(%run_scoped3A : memref<!tpu.dma_semaphore, #tpu.memory_space<semaphore_mem>>) src(%dma_wait3A_40 : memref<624x128xf32, #tpu.memory_space<vmem_shared>>) dst(%dma_wait3A_38 : memref<624x128xf32, #tpu.memory_space<hbm>>)
      tpu.yield
    }) : () -> ()
    %eq3A = arith.constant 15 : i32
    %eq3A_31 = arith.cmpi eq, %arg1, %eq3A : i32
    %convert_element_type3A = arith.extui %eq3A_31 : i1 to i32
    %cond3A = arith.constant 0 : i32
    %cond3A_32 = arith.cmpi ne, %convert_element_type3A, %cond3A : i32
    scf.if %cond3A_32 {
      "tpu.region"() ({
        %run_scoped3A = tpu.sem_alloc : memref<!tpu.dma_semaphore, #tpu.memory_space<semaphore_mem>>
        %dma_start3A = arith.constant 9984 : i32
        %dma_start3A_33 = arith.constant 0 : i32
        %dma_start3A_34 = tpu.memref_slice %arg5[%arg0, %dma_start3A, %dma_start3A_33] : memref<2x10000x128xf32, #tpu.memory_space<hbm>> -> memref<1x16x128xf32, #tpu.memory_space<hbm>>
        %dma_start3A_35 = tpu.memref_squeeze %dma_start3A_34 : memref<1x16x128xf32, #tpu.memory_space<hbm>> -> memref<16x128xf32, #tpu.memory_space<hbm>>
        %dma_start3A_36 = arith.constant 9984 : i32
        %dma_start3A_37 = arith.constant 0 : i32
        %dma_start3A_38 = tpu.memref_slice %arg11[%dma_start3A_36, %dma_start3A_37] : memref<10112x128xf32, #tpu.memory_space<vmem_shared>> -> memref<16x128xf32, #tpu.memory_space<vmem_shared>>
        tpu.enqueue_dma source(%dma_start3A_38 : memref<16x128xf32, #tpu.memory_space<vmem_shared>>) target(%dma_start3A_35 : memref<16x128xf32, #tpu.memory_space<hbm>>) target_semaphore(%run_scoped3A : memref<!tpu.dma_semaphore, #tpu.memory_space<semaphore_mem>>)
        %dma_wait3A = arith.constant 9984 : i32
        %dma_wait3A_39 = arith.constant 0 : i32
        %dma_wait3A_40 = tpu.memref_slice %arg5[%arg0, %dma_wait3A, %dma_wait3A_39] : memref<2x10000x128xf32, #tpu.memory_space<hbm>> -> memref<1x16x128xf32, #tpu.memory_space<hbm>>
        %dma_wait3A_41 = tpu.memref_squeeze %dma_wait3A_40 : memref<1x16x128xf32, #tpu.memory_space<hbm>> -> memref<16x128xf32, #tpu.memory_space<hbm>>
        %dma_wait3A_42 = arith.constant 9984 : i32
        %dma_wait3A_43 = arith.constant 0 : i32
        %dma_wait3A_44 = tpu.memref_slice %arg11[%dma_wait3A_42, %dma_wait3A_43] : memref<10112x128xf32, #tpu.memory_space<vmem_shared>> -> memref<16x128xf32, #tpu.memory_space<vmem_shared>>
        tpu.wait_dma2 semaphore(%run_scoped3A : memref<!tpu.dma_semaphore, #tpu.memory_space<semaphore_mem>>) src(%dma_wait3A_44 : memref<16x128xf32, #tpu.memory_space<vmem_shared>>) dst(%dma_wait3A_41 : memref<16x128xf32, #tpu.memory_space<hbm>>)
        tpu.yield
      }) : () -> ()
    } else {
    }
    return
  }
}

module attributes {stable_mosaic.version = 14 : i64} {
  func.func @_tc_pre_body(%arg0: i32, %arg1: memref<1000x128xf32, #tpu.memory_space<vmem>>, %arg2: memref<128x128xf32, #tpu.memory_space<vmem>>, %arg3: memref<1x128xf32, #tpu.memory_space<vmem>>, %arg4: memref<128x128xf32, #tpu.memory_space<vmem>>, %arg5: memref<1x128xf32, #tpu.memory_space<vmem>>, %arg6: memref<128x128xf32, #tpu.memory_space<vmem>>, %arg7: memref<1x128xf32, #tpu.memory_space<vmem>>, %arg8: memref<128x128xf32, #tpu.memory_space<vmem>>, %arg9: memref<1x128xf32, #tpu.memory_space<vmem>>, %arg10: memref<1000x128xf32, #tpu.memory_space<vmem>>, %arg11: memref<1000x128xf32, #tpu.memory_space<vmem>>) attributes {dimension_semantics = [#tpu.dimension_semantics<arbitrary>], iteration_bounds = array<i64: 10>, scalar_prefetch = 0 : i64, scratch_operands = 0 : i64, tpu.core_type = #tpu.core_type<tc>, window_params = [{transform_indices = @transform_0, window_bounds = array<i64: 1000, 128>}, {pipeline_mode = #tpu.pipeline_mode<synchronous>, transform_indices = @transform_1, window_bounds = array<i64: 128, 128>}, {pipeline_mode = #tpu.pipeline_mode<synchronous>, transform_indices = @transform_2, window_bounds = array<i64: 1, 128>}, {pipeline_mode = #tpu.pipeline_mode<synchronous>, transform_indices = @transform_3, window_bounds = array<i64: 128, 128>}, {pipeline_mode = #tpu.pipeline_mode<synchronous>, transform_indices = @transform_4, window_bounds = array<i64: 1, 128>}, {pipeline_mode = #tpu.pipeline_mode<synchronous>, transform_indices = @transform_5, window_bounds = array<i64: 128, 128>}, {pipeline_mode = #tpu.pipeline_mode<synchronous>, transform_indices = @transform_6, window_bounds = array<i64: 1, 128>}, {pipeline_mode = #tpu.pipeline_mode<synchronous>, transform_indices = @transform_7, window_bounds = array<i64: 128, 128>}, {pipeline_mode = #tpu.pipeline_mode<synchronous>, transform_indices = @transform_8, window_bounds = array<i64: 1, 128>}, {transform_indices = @transform_9, window_bounds = array<i64: 1000, 128>}, {transform_indices = @transform_10, window_bounds = array<i64: 1000, 128>}]} {
    %get3A = arith.constant 0 : index
    %get3A_0 = arith.constant 0 : index
    %get3A_1 = vector.load %arg1[%get3A, %get3A_0] : memref<1000x128xf32, #tpu.memory_space<vmem>>, vector<1000x128xf32>
    %get3A_2 = arith.constant 0 : index
    %get3A_3 = arith.constant 0 : index
    %get3A_4 = vector.load %arg2[%get3A_2, %get3A_3] : memref<128x128xf32, #tpu.memory_space<vmem>>, vector<128x128xf32>
    %dot_general3A = arith.constant dense<0.000000e+00> : vector<1000x128xf32>
    %dot_general3A_5 = tpu.matmul %get3A_1, %get3A_4, %dot_general3A {dimension_numbers = #tpu.dot_dimension_numbers<[1], [0], [0], [1], [0, 0, 1, 1], [], []>, transpose_lhs_hint = false} : vector<1000x128xf32>, vector<128x128xf32>, vector<1000x128xf32> -> vector<1000x128xf32>
    %get3A_6 = arith.constant 0 : index
    %get3A_7 = arith.constant 0 : index
    %get3A_8 = vector.load %arg3[%get3A_6, %get3A_7] : memref<1x128xf32, #tpu.memory_space<vmem>>, vector<1x128xf32>
    %add3A = vector.broadcast %get3A_8 : vector<1x128xf32> to vector<1000x128xf32>
    %add3A_9 = arith.addf %dot_general3A_5, %add3A : vector<1000x128xf32>
    %max3A = arith.constant 0.000000e+00 : f32
    %max3A_10 = vector.broadcast %max3A : f32 to vector<1000x128xf32>
    %max3A_11 = arith.maximumf %add3A_9, %max3A_10 : vector<1000x128xf32>
    %get3A_12 = arith.constant 0 : index
    %get3A_13 = arith.constant 0 : index
    %get3A_14 = vector.load %arg4[%get3A_12, %get3A_13] : memref<128x128xf32, #tpu.memory_space<vmem>>, vector<128x128xf32>
    %dot_general3A_15 = arith.constant dense<0.000000e+00> : vector<1000x128xf32>
    %dot_general3A_16 = tpu.matmul %max3A_11, %get3A_14, %dot_general3A_15 {dimension_numbers = #tpu.dot_dimension_numbers<[1], [0], [0], [1], [0, 0, 1, 1], [], []>, transpose_lhs_hint = false} : vector<1000x128xf32>, vector<128x128xf32>, vector<1000x128xf32> -> vector<1000x128xf32>
    %get3A_17 = arith.constant 0 : index
    %get3A_18 = arith.constant 0 : index
    %get3A_19 = vector.load %arg5[%get3A_17, %get3A_18] : memref<1x128xf32, #tpu.memory_space<vmem>>, vector<1x128xf32>
    %add3A_20 = vector.broadcast %get3A_19 : vector<1x128xf32> to vector<1000x128xf32>
    %add3A_21 = arith.addf %dot_general3A_16, %add3A_20 : vector<1000x128xf32>
    %swap3A = arith.constant 0 : index
    %swap3A_22 = arith.constant 0 : index
    %swap3A_23 = vector.load %arg10[%swap3A, %swap3A_22] : memref<1000x128xf32, #tpu.memory_space<vmem>>, vector<1000x128xf32>
    tpu.vector_store %arg10[%swap3A, %swap3A_22], %add3A_21 {strides = array<i32>} : memref<1000x128xf32, #tpu.memory_space<vmem>>, vector<1000x128xf32>,
    %get3A_24 = arith.constant 0 : index
    %get3A_25 = arith.constant 0 : index
    %get3A_26 = vector.load %arg6[%get3A_24, %get3A_25] : memref<128x128xf32, #tpu.memory_space<vmem>>, vector<128x128xf32>
    %dot_general3A_27 = arith.constant dense<0.000000e+00> : vector<1000x128xf32>
    %dot_general3A_28 = tpu.matmul %get3A_1, %get3A_26, %dot_general3A_27 {dimension_numbers = #tpu.dot_dimension_numbers<[1], [0], [0], [1], [0, 0, 1, 1], [], []>, transpose_lhs_hint = false} : vector<1000x128xf32>, vector<128x128xf32>, vector<1000x128xf32> -> vector<1000x128xf32>
    %get3A_29 = arith.constant 0 : index
    %get3A_30 = arith.constant 0 : index
    %get3A_31 = vector.load %arg7[%get3A_29, %get3A_30] : memref<1x128xf32, #tpu.memory_space<vmem>>, vector<1x128xf32>
    %add3A_32 = vector.broadcast %get3A_31 : vector<1x128xf32> to vector<1000x128xf32>
    %add3A_33 = arith.addf %dot_general3A_28, %add3A_32 : vector<1000x128xf32>
    %max3A_34 = arith.constant 0.000000e+00 : f32
    %max3A_35 = vector.broadcast %max3A_34 : f32 to vector<1000x128xf32>
    %max3A_36 = arith.maximumf %add3A_33, %max3A_35 : vector<1000x128xf32>
    %get3A_37 = arith.constant 0 : index
    %get3A_38 = arith.constant 0 : index
    %get3A_39 = vector.load %arg8[%get3A_37, %get3A_38] : memref<128x128xf32, #tpu.memory_space<vmem>>, vector<128x128xf32>
    %dot_general3A_40 = arith.constant dense<0.000000e+00> : vector<1000x128xf32>
    %dot_general3A_41 = tpu.matmul %max3A_36, %get3A_39, %dot_general3A_40 {dimension_numbers = #tpu.dot_dimension_numbers<[1], [0], [0], [1], [0, 0, 1, 1], [], []>, transpose_lhs_hint = false} : vector<1000x128xf32>, vector<128x128xf32>, vector<1000x128xf32> -> vector<1000x128xf32>
    %get3A_42 = arith.constant 0 : index
    %get3A_43 = arith.constant 0 : index
    %get3A_44 = vector.load %arg9[%get3A_42, %get3A_43] : memref<1x128xf32, #tpu.memory_space<vmem>>, vector<1x128xf32>
    %add3A_45 = vector.broadcast %get3A_44 : vector<1x128xf32> to vector<1000x128xf32>
    %add3A_46 = arith.addf %dot_general3A_41, %add3A_45 : vector<1000x128xf32>
    %swap3A_47 = arith.constant 0 : index
    %swap3A_48 = arith.constant 0 : index
    %swap3A_49 = vector.load %arg11[%swap3A_47, %swap3A_48] : memref<1000x128xf32, #tpu.memory_space<vmem>>, vector<1000x128xf32>
    tpu.vector_store %arg11[%swap3A_47, %swap3A_48], %add3A_46 {strides = array<i32>} : memref<1000x128xf32, #tpu.memory_space<vmem>>, vector<1000x128xf32>,
    return
  }
  func.func @transform_0(%arg0: i32) -> (i32, i32) {
    %c0_i32 = arith.constant 0 : i32
    %c0_i32_0 = arith.constant 0 : i32
    return %arg0, %c0_i32 : i32, i32
  }
  func.func @transform_1(%arg0: i32) -> (i32, i32) {
    %c0_i32 = arith.constant 0 : i32
    %c0_i32_0 = arith.constant 0 : i32
    %c0_i32_1 = arith.constant 0 : i32
    return %c0_i32, %c0_i32_0 : i32, i32
  }
  func.func @transform_2(%arg0: i32) -> (i32, i32) {
    %c0_i32 = arith.constant 0 : i32
    %c0_i32_0 = arith.constant 0 : i32
    %c0_i32_1 = arith.constant 0 : i32
    return %c0_i32, %c0_i32_0 : i32, i32
  }
  func.func @transform_3(%arg0: i32) -> (i32, i32) {
    %c0_i32 = arith.constant 0 : i32
    %c0_i32_0 = arith.constant 0 : i32
    %c0_i32_1 = arith.constant 0 : i32
    return %c0_i32, %c0_i32_0 : i32, i32
  }
  func.func @transform_4(%arg0: i32) -> (i32, i32) {
    %c0_i32 = arith.constant 0 : i32
    %c0_i32_0 = arith.constant 0 : i32
    %c0_i32_1 = arith.constant 0 : i32
    return %c0_i32, %c0_i32_0 : i32, i32
  }
  func.func @transform_5(%arg0: i32) -> (i32, i32) {
    %c0_i32 = arith.constant 0 : i32
    %c0_i32_0 = arith.constant 0 : i32
    %c0_i32_1 = arith.constant 0 : i32
    return %c0_i32, %c0_i32_0 : i32, i32
  }
  func.func @transform_6(%arg0: i32) -> (i32, i32) {
    %c0_i32 = arith.constant 0 : i32
    %c0_i32_0 = arith.constant 0 : i32
    %c0_i32_1 = arith.constant 0 : i32
    return %c0_i32, %c0_i32_0 : i32, i32
  }
  func.func @transform_7(%arg0: i32) -> (i32, i32) {
    %c0_i32 = arith.constant 0 : i32
    %c0_i32_0 = arith.constant 0 : i32
    %c0_i32_1 = arith.constant 0 : i32
    return %c0_i32, %c0_i32_0 : i32, i32
  }
  func.func @transform_8(%arg0: i32) -> (i32, i32) {
    %c0_i32 = arith.constant 0 : i32
    %c0_i32_0 = arith.constant 0 : i32
    %c0_i32_1 = arith.constant 0 : i32
    return %c0_i32, %c0_i32_0 : i32, i32
  }
  func.func @transform_9(%arg0: i32) -> (i32, i32) {
    %c0_i32 = arith.constant 0 : i32
    %c0_i32_0 = arith.constant 0 : i32
    return %arg0, %c0_i32 : i32, i32
  }
  func.func @transform_10(%arg0: i32) -> (i32, i32) {
    %c0_i32 = arith.constant 0 : i32
    %c0_i32_0 = arith.constant 0 : i32
    return %arg0, %c0_i32 : i32, i32
  }
}

module attributes {stable_mosaic.version = 14 : i64} {
  func.func @_tc_conv_body(%arg0: i32, %arg1: memref<1000x128xf32, #tpu.memory_space<vmem>>, %arg2: memref<1000x128xf32, #tpu.memory_space<vmem>>, %arg3: memref<1000x128xf32, #tpu.memory_space<vmem>>, %arg4: memref<128x128xf32, #tpu.memory_space<vmem>>, %arg5: memref<1x128xf32, #tpu.memory_space<vmem>>, %arg6: memref<128x128xf32, #tpu.memory_space<vmem>>, %arg7: memref<1000x128xf32, #tpu.memory_space<vmem>>) attributes {dimension_semantics = [#tpu.dimension_semantics<arbitrary>], iteration_bounds = array<i64: 10>, scalar_prefetch = 0 : i64, scratch_operands = 0 : i64, tpu.core_type = #tpu.core_type<tc>, window_params = [{transform_indices = @transform_0, window_bounds = array<i64: 1000, 128>}, {transform_indices = @transform_1, window_bounds = array<i64: 1000, 128>}, {transform_indices = @transform_2, window_bounds = array<i64: 1000, 128>}, {pipeline_mode = #tpu.pipeline_mode<synchronous>, transform_indices = @transform_3, window_bounds = array<i64: 128, 128>}, {pipeline_mode = #tpu.pipeline_mode<synchronous>, transform_indices = @transform_4, window_bounds = array<i64: 1, 128>}, {pipeline_mode = #tpu.pipeline_mode<synchronous>, transform_indices = @transform_5, window_bounds = array<i64: 128, 128>}, {transform_indices = @transform_6, window_bounds = array<i64: 1000, 128>}]} {
    %get3A = arith.constant 0 : index
    %get3A_0 = arith.constant 0 : index
    %get3A_1 = vector.load %arg1[%get3A, %get3A_0] : memref<1000x128xf32, #tpu.memory_space<vmem>>, vector<1000x128xf32>
    %get3A_2 = arith.constant 0 : index
    %get3A_3 = arith.constant 0 : index
    %get3A_4 = vector.load %arg2[%get3A_2, %get3A_3] : memref<1000x128xf32, #tpu.memory_space<vmem>>, vector<1000x128xf32>
    %add3A = arith.addf %get3A_1, %get3A_4 : vector<1000x128xf32>
    %get3A_5 = arith.constant 0 : index
    %get3A_6 = arith.constant 0 : index
    %get3A_7 = vector.load %arg4[%get3A_5, %get3A_6] : memref<128x128xf32, #tpu.memory_space<vmem>>, vector<128x128xf32>
    %dot_general3A = arith.constant dense<0.000000e+00> : vector<1000x128xf32>
    %dot_general3A_8 = tpu.matmul %add3A, %get3A_7, %dot_general3A {dimension_numbers = #tpu.dot_dimension_numbers<[1], [0], [0], [1], [0, 0, 1, 1], [], []>, transpose_lhs_hint = false} : vector<1000x128xf32>, vector<128x128xf32>, vector<1000x128xf32> -> vector<1000x128xf32>
    %get3A_9 = arith.constant 0 : index
    %get3A_10 = arith.constant 0 : index
    %get3A_11 = vector.load %arg5[%get3A_9, %get3A_10] : memref<1x128xf32, #tpu.memory_space<vmem>>, vector<1x128xf32>
    %add3A_12 = vector.broadcast %get3A_11 : vector<1x128xf32> to vector<1000x128xf32>
    %add3A_13 = arith.addf %dot_general3A_8, %add3A_12 : vector<1000x128xf32>
    %get3A_14 = arith.constant 0 : index
    %get3A_15 = arith.constant 0 : index
    %get3A_16 = vector.load %arg3[%get3A_14, %get3A_15] : memref<1000x128xf32, #tpu.memory_space<vmem>>, vector<1000x128xf32>
    %get3A_17 = arith.constant 0 : index
    %get3A_18 = arith.constant 0 : index
    %get3A_19 = vector.load %arg6[%get3A_17, %get3A_18] : memref<128x128xf32, #tpu.memory_space<vmem>>, vector<128x128xf32>
    %dot_general3A_20 = arith.constant dense<0.000000e+00> : vector<1000x128xf32>
    %dot_general3A_21 = tpu.matmul %get3A_16, %get3A_19, %dot_general3A_20 {dimension_numbers = #tpu.dot_dimension_numbers<[1], [0], [0], [1], [0, 0, 1, 1], [], []>, transpose_lhs_hint = false} : vector<1000x128xf32>, vector<128x128xf32>, vector<1000x128xf32> -> vector<1000x128xf32>
    %add3A_22 = arith.addf %add3A_13, %dot_general3A_21 : vector<1000x128xf32>
    %max3A = arith.constant 0.000000e+00 : f32
    %max3A_23 = vector.broadcast %max3A : f32 to vector<1000x128xf32>
    %max3A_24 = arith.maximumf %add3A_22, %max3A_23 : vector<1000x128xf32>
    %swap3A = arith.constant 0 : index
    %swap3A_25 = arith.constant 0 : index
    %swap3A_26 = vector.load %arg7[%swap3A, %swap3A_25] : memref<1000x128xf32, #tpu.memory_space<vmem>>, vector<1000x128xf32>
    tpu.vector_store %arg7[%swap3A, %swap3A_25], %max3A_24 {strides = array<i32>} : memref<1000x128xf32, #tpu.memory_space<vmem>>, vector<1000x128xf32>,
    return
  }
  func.func @transform_0(%arg0: i32) -> (i32, i32) {
    %c0_i32 = arith.constant 0 : i32
    %c0_i32_0 = arith.constant 0 : i32
    return %arg0, %c0_i32 : i32, i32
  }
  func.func @transform_1(%arg0: i32) -> (i32, i32) {
    %c0_i32 = arith.constant 0 : i32
    %c0_i32_0 = arith.constant 0 : i32
    return %arg0, %c0_i32 : i32, i32
  }
  func.func @transform_2(%arg0: i32) -> (i32, i32) {
    %c0_i32 = arith.constant 0 : i32
    %c0_i32_0 = arith.constant 0 : i32
    return %arg0, %c0_i32 : i32, i32
  }
  func.func @transform_3(%arg0: i32) -> (i32, i32) {
    %c0_i32 = arith.constant 0 : i32
    %c0_i32_0 = arith.constant 0 : i32
    %c0_i32_1 = arith.constant 0 : i32
    return %c0_i32, %c0_i32_0 : i32, i32
  }
  func.func @transform_4(%arg0: i32) -> (i32, i32) {
    %c0_i32 = arith.constant 0 : i32
    %c0_i32_0 = arith.constant 0 : i32
    %c0_i32_1 = arith.constant 0 : i32
    return %c0_i32, %c0_i32_0 : i32, i32
  }
  func.func @transform_5(%arg0: i32) -> (i32, i32) {
    %c0_i32 = arith.constant 0 : i32
    %c0_i32_0 = arith.constant 0 : i32
    %c0_i32_1 = arith.constant 0 : i32
    return %c0_i32, %c0_i32_0 : i32, i32
  }
  func.func @transform_6(%arg0: i32) -> (i32, i32) {
    %c0_i32 = arith.constant 0 : i32
    %c0_i32_0 = arith.constant 0 : i32
    return %arg0, %c0_i32 : i32, i32
  }
}

module attributes {stable_mosaic.version = 14 : i64} {
  func.func @_tc_final_body(%arg0: i32, %arg1: memref<1000x128xf32, #tpu.memory_space<vmem>>, %arg2: memref<1000x128xf32, #tpu.memory_space<vmem>>, %arg3: memref<1000x128xf32, #tpu.memory_space<vmem>>, %arg4: memref<128x128xf32, #tpu.memory_space<vmem>>, %arg5: memref<1x128xf32, #tpu.memory_space<vmem>>, %arg6: memref<128x128xf32, #tpu.memory_space<vmem>>, %arg7: memref<1000x128xf32, #tpu.memory_space<vmem>>, %arg8: memref<1000x128xf32, #tpu.memory_space<vmem>>) attributes {dimension_semantics = [#tpu.dimension_semantics<arbitrary>], iteration_bounds = array<i64: 10>, scalar_prefetch = 0 : i64, scratch_operands = 0 : i64, tpu.core_type = #tpu.core_type<tc>, window_params = [{transform_indices = @transform_0, window_bounds = array<i64: 1000, 128>}, {transform_indices = @transform_1, window_bounds = array<i64: 1000, 128>}, {transform_indices = @transform_2, window_bounds = array<i64: 1000, 128>}, {pipeline_mode = #tpu.pipeline_mode<synchronous>, transform_indices = @transform_3, window_bounds = array<i64: 128, 128>}, {pipeline_mode = #tpu.pipeline_mode<synchronous>, transform_indices = @transform_4, window_bounds = array<i64: 1, 128>}, {pipeline_mode = #tpu.pipeline_mode<synchronous>, transform_indices = @transform_5, window_bounds = array<i64: 128, 128>}, {transform_indices = @transform_6, window_bounds = array<i64: 1000, 128>}, {transform_indices = @transform_7, window_bounds = array<i64: 1000, 128>}]} {
    %get3A = arith.constant 0 : index
    %get3A_0 = arith.constant 0 : index
    %get3A_1 = vector.load %arg1[%get3A, %get3A_0] : memref<1000x128xf32, #tpu.memory_space<vmem>>, vector<1000x128xf32>
    %get3A_2 = arith.constant 0 : index
    %get3A_3 = arith.constant 0 : index
    %get3A_4 = vector.load %arg2[%get3A_2, %get3A_3] : memref<1000x128xf32, #tpu.memory_space<vmem>>, vector<1000x128xf32>
    %add3A = arith.addf %get3A_1, %get3A_4 : vector<1000x128xf32>
    %get3A_5 = arith.constant 0 : index
    %get3A_6 = arith.constant 0 : index
    %get3A_7 = vector.load %arg4[%get3A_5, %get3A_6] : memref<128x128xf32, #tpu.memory_space<vmem>>, vector<128x128xf32>
    %dot_general3A = arith.constant dense<0.000000e+00> : vector<1000x128xf32>
    %dot_general3A_8 = tpu.matmul %add3A, %get3A_7, %dot_general3A {dimension_numbers = #tpu.dot_dimension_numbers<[1], [0], [0], [1], [0, 0, 1, 1], [], []>, transpose_lhs_hint = false} : vector<1000x128xf32>, vector<128x128xf32>, vector<1000x128xf32> -> vector<1000x128xf32>
    %get3A_9 = arith.constant 0 : index
    %get3A_10 = arith.constant 0 : index
    %get3A_11 = vector.load %arg5[%get3A_9, %get3A_10] : memref<1x128xf32, #tpu.memory_space<vmem>>, vector<1x128xf32>
    %add3A_12 = vector.broadcast %get3A_11 : vector<1x128xf32> to vector<1000x128xf32>
    %add3A_13 = arith.addf %dot_general3A_8, %add3A_12 : vector<1000x128xf32>
    %get3A_14 = arith.constant 0 : index
    %get3A_15 = arith.constant 0 : index
    %get3A_16 = vector.load %arg3[%get3A_14, %get3A_15] : memref<1000x128xf32, #tpu.memory_space<vmem>>, vector<1000x128xf32>
    %get3A_17 = arith.constant 0 : index
    %get3A_18 = arith.constant 0 : index
    %get3A_19 = vector.load %arg6[%get3A_17, %get3A_18] : memref<128x128xf32, #tpu.memory_space<vmem>>, vector<128x128xf32>
    %dot_general3A_20 = arith.constant dense<0.000000e+00> : vector<1000x128xf32>
    %dot_general3A_21 = tpu.matmul %get3A_16, %get3A_19, %dot_general3A_20 {dimension_numbers = #tpu.dot_dimension_numbers<[1], [0], [0], [1], [0, 0, 1, 1], [], []>, transpose_lhs_hint = false} : vector<1000x128xf32>, vector<128x128xf32>, vector<1000x128xf32> -> vector<1000x128xf32>
    %add3A_22 = arith.addf %add3A_13, %dot_general3A_21 : vector<1000x128xf32>
    %get3A_23 = arith.constant 0 : index
    %get3A_24 = arith.constant 0 : index
    %get3A_25 = vector.load %arg7[%get3A_23, %get3A_24] : memref<1000x128xf32, #tpu.memory_space<vmem>>, vector<1000x128xf32>
    %reduce_max3A = arith.constant dense<0xFF800000> : vector<1000xf32>
    %reduce_max3A_26 = vector.multi_reduction <maximumf>, %get3A_25, %reduce_max3A [1] : vector<1000x128xf32> to vector<1000xf32>
    %broadcast_in_dim3A = vector.shape_cast %reduce_max3A_26 : vector<1000xf32> to vector<1000x1xf32>
    %sub3A = vector.broadcast %broadcast_in_dim3A : vector<1000x1xf32> to vector<1000x128xf32>
    %sub3A_27 = arith.subf %get3A_25, %sub3A : vector<1000x128xf32>
    %exp3A = math.exp %sub3A_27 : vector<1000x128xf32>
    %reduce_sum3A = arith.constant dense<0.000000e+00> : vector<1000xf32>
    %reduce_sum3A_28 = vector.multi_reduction <add>, %exp3A, %reduce_sum3A [1] : vector<1000x128xf32> to vector<1000xf32>
    %broadcast_in_dim3A_29 = vector.shape_cast %reduce_sum3A_28 : vector<1000xf32> to vector<1000x1xf32>
    %div3A = vector.broadcast %broadcast_in_dim3A_29 : vector<1000x1xf32> to vector<1000x128xf32>
    %div3A_30 = arith.divf %exp3A, %div3A : vector<1000x128xf32>
    %reduce_sum3A_31 = arith.constant dense<0.000000e+00> : vector<1000xf32>
    %reduce_sum3A_32 = vector.multi_reduction <add>, %div3A_30, %reduce_sum3A_31 [1] : vector<1000x128xf32> to vector<1000xf32>
    %broadcast_in_dim3A_33 = vector.shape_cast %reduce_sum3A_32 : vector<1000xf32> to vector<1000x1xf32>
    %div3A_34 = arith.constant 1.280000e+02 : f32
    %div3A_35 = vector.broadcast %div3A_34 : f32 to vector<1000x1xf32>
    %div3A_36 = arith.divf %broadcast_in_dim3A_33, %div3A_35 : vector<1000x1xf32>
    %sub3A_37 = vector.broadcast %div3A_36 : vector<1000x1xf32> to vector<1000x128xf32>
    %sub3A_38 = arith.subf %div3A_30, %sub3A_37 : vector<1000x128xf32>
    %integer_pow3A = arith.mulf %sub3A_38, %sub3A_38 : vector<1000x128xf32>
    %reduce_sum3A_39 = arith.constant dense<0.000000e+00> : vector<1000xf32>
    %reduce_sum3A_40 = vector.multi_reduction <add>, %integer_pow3A, %reduce_sum3A_39 [1] : vector<1000x128xf32> to vector<1000xf32>
    %broadcast_in_dim3A_41 = vector.shape_cast %reduce_sum3A_40 : vector<1000xf32> to vector<1000x1xf32>
    %div3A_42 = arith.constant 1.280000e+02 : f32
    %div3A_43 = vector.broadcast %div3A_42 : f32 to vector<1000x1xf32>
    %div3A_44 = arith.divf %broadcast_in_dim3A_41, %div3A_43 : vector<1000x1xf32>
    %add3A_45 = arith.constant 9.99999993E-9 : f32
    %add3A_46 = vector.broadcast %add3A_45 : f32 to vector<1000x128xf32>
    %add3A_47 = arith.addf %div3A_30, %add3A_46 : vector<1000x128xf32>
    %log3A = math.log %add3A_47 : vector<1000x128xf32>
    %mul3A = arith.mulf %div3A_30, %log3A : vector<1000x128xf32>
    %reduce_sum3A_48 = arith.constant dense<0.000000e+00> : vector<1000xf32>
    %reduce_sum3A_49 = vector.multi_reduction <add>, %mul3A, %reduce_sum3A_48 [1] : vector<1000x128xf32> to vector<1000xf32>
    %broadcast_in_dim3A_50 = vector.shape_cast %reduce_sum3A_49 : vector<1000xf32> to vector<1000x1xf32>
    %neg3A = arith.constant 0.000000e+00 : f32
    %neg3A_51 = vector.broadcast %neg3A : f32 to vector<1000x1xf32>
    %neg3A_52 = arith.subf %neg3A_51, %broadcast_in_dim3A_50 : vector<1000x1xf32>
    %log3A_53 = arith.constant 1.280000e+02 : f32
    %log3A_54 = math.log %log3A_53 : f32
    %div3A_55 = vector.broadcast %log3A_54 : f32 to vector<1000x1xf32>
    %div3A_56 = arith.divf %neg3A_52, %div3A_55 : vector<1000x1xf32>
    %sub3A_57 = arith.constant 1.000000e+00 : f32
    %sub3A_58 = vector.broadcast %sub3A_57 : f32 to vector<1000x1xf32>
    %sub3A_59 = arith.subf %sub3A_58, %div3A_56 : vector<1000x1xf32>
    %add3A_60 = arith.addf %div3A_44, %sub3A_59 : vector<1000x1xf32>
    %mul3A_61 = arith.constant 5.000000e-01 : f32
    %mul3A_62 = vector.broadcast %mul3A_61 : f32 to vector<1000x1xf32>
    %mul3A_63 = arith.mulf %mul3A_62, %add3A_60 : vector<1000x1xf32>
    %jit3A = arith.constant 0.000000e+00 : f32
    %jit3A_64 = arith.constant 1.000000e+00 : f32
    %max3A = vector.broadcast %jit3A : f32 to vector<1000x1xf32>
    %max3A_65 = arith.maximumf %max3A, %mul3A_63 : vector<1000x1xf32>
    %min3A = vector.broadcast %jit3A_64 : f32 to vector<1000x1xf32>
    %min3A_66 = arith.minimumf %min3A, %max3A_65 : vector<1000x1xf32>
    %mul3A_67 = vector.broadcast %min3A_66 : vector<1000x1xf32> to vector<1000x128xf32>
    %mul3A_68 = arith.mulf %mul3A_67, %get3A_25 : vector<1000x128xf32>
    %sub3A_69 = arith.constant 1.000000e+00 : f32
    %sub3A_70 = vector.broadcast %sub3A_69 : f32 to vector<1000x1xf32>
    %sub3A_71 = arith.subf %sub3A_70, %min3A_66 : vector<1000x1xf32>
    %mul3A_72 = vector.broadcast %sub3A_71 : vector<1000x1xf32> to vector<1000x128xf32>
    %mul3A_73 = arith.mulf %mul3A_72, %add3A_22 : vector<1000x128xf32>
    %add3A_74 = arith.addf %mul3A_68, %mul3A_73 : vector<1000x128xf32>
    %swap3A = arith.constant 0 : index
    %swap3A_75 = arith.constant 0 : index
    %swap3A_76 = vector.load %arg8[%swap3A, %swap3A_75] : memref<1000x128xf32, #tpu.memory_space<vmem>>, vector<1000x128xf32>
    tpu.vector_store %arg8[%swap3A, %swap3A_75], %add3A_74 {strides = array<i32>} : memref<1000x128xf32, #tpu.memory_space<vmem>>, vector<1000x128xf32>,
    return
  }
  func.func @transform_0(%arg0: i32) -> (i32, i32) {
    %c0_i32 = arith.constant 0 : i32
    %c0_i32_0 = arith.constant 0 : i32
    return %arg0, %c0_i32 : i32, i32
  }
  func.func @transform_1(%arg0: i32) -> (i32, i32) {
    %c0_i32 = arith.constant 0 : i32
    %c0_i32_0 = arith.constant 0 : i32
    return %arg0, %c0_i32 : i32, i32
  }
  func.func @transform_2(%arg0: i32) -> (i32, i32) {
    %c0_i32 = arith.constant 0 : i32
    %c0_i32_0 = arith.constant 0 : i32
    return %arg0, %c0_i32 : i32, i32
  }
  func.func @transform_3(%arg0: i32) -> (i32, i32) {
    %c0_i32 = arith.constant 0 : i32
    %c0_i32_0 = arith.constant 0 : i32
    %c0_i32_1 = arith.constant 0 : i32
    return %c0_i32, %c0_i32_0 : i32, i32
  }
  func.func @transform_4(%arg0: i32) -> (i32, i32) {
    %c0_i32 = arith.constant 0 : i32
    %c0_i32_0 = arith.constant 0 : i32
    %c0_i32_1 = arith.constant 0 : i32
    return %c0_i32, %c0_i32_0 : i32, i32
  }
  func.func @transform_5(%arg0: i32) -> (i32, i32) {
    %c0_i32 = arith.constant 0 : i32
    %c0_i32_0 = arith.constant 0 : i32
    %c0_i32_1 = arith.constant 0 : i32
    return %c0_i32, %c0_i32_0 : i32, i32
  }
  func.func @transform_6(%arg0: i32) -> (i32, i32) {
    %c0_i32 = arith.constant 0 : i32
    %c0_i32_0 = arith.constant 0 : i32
    return %arg0, %c0_i32 : i32, i32
  }
  func.func @transform_7(%arg0: i32) -> (i32, i32) {
    %c0_i32 = arith.constant 0 : i32
    %c0_i32_0 = arith.constant 0 : i32
    return %arg0, %c0_i32 : i32, i32
  }
}

</mosaic_0001>

<sc_bundles>
// kernel: kernel.12.cloned.1.call-start
scs
__scs_entry_jumppad:
0x0: {  	(pc) =	sbr.rel $0x88, $3  }
0x1: {  	(tag) =	ssettag $0x0;
	lr =	simm.s32 $0x1  }
0x2: {  	[smem:$0x3F8E] =	sst lr;
	_ =	strace $0xD0000000  }
0x3: {  	_ = 	snop  }
0x4: {  	_ = 	snop  }
0x5: {  	_ = 	snop  }
0x6: {  	_ = 	snop  }
0x7: {  	_ = 	snop  }
__scs_overlays_trampoline_lowered:
0x8: {  	[smem:$0x3F9D] =	sst s0  }
0x9: {  	[smem:$0x3F9E] =	sst s1  }
0xa: {  	[smem:$0x3F9F] =	sst s2  }
0xb: {  	[smem:$0x3FA0] =	sst s3  }
0xc: {  	[smem:$0x3FA1] =	sst s4  }
0xd: {  	[smem:$0x3FA2] =	sst s5  }
0xe: {  	[smem:$0x3FA3] =	sst s6  }
0xf: {  	[smem:$0x3FA4] =	sst s7  }
0x10: {  	[smem:$0x3FA5] =	sst s8  }
0x11: {  	[smem:$0x3FA6] =	sst s9;
	s0 =	simm.s32 @!p0 $0x0  }
0x12: {  	s1 =	sld [smem:$0x3F8C];
	s0 =	simm.s32 @p0 $0x1  }
0x13: {  	[smem:$0x3FA7] =	sst s0;
	s0 =	simm.s32 @!p1 $0x0  }
0x14: {  	s2 =	sld [smem:$0x3F8B];
	s0 =	simm.s32 @p1 $0x1  }
0x15: {  	[smem:$0x3FA8] =	sst s0;
	s0 =	simm.s32 @!p2 $0x0  }
0x16: {  	s3 =	sld [smem:$0x3FDB];
	s0 =	simm.s32 @p2 $0x1  }
0x17: {  	s4 =	simm.s32 $0x1BF5;
	[smem:$0x3FAA] =	sst s0  }
0x18: {  	s0 =	sld [smem:$0x3F8D];
	_ =	swait.ge [sflag:s4], $0x0  }
0x19: {  	s7 =	sld [smem:$0x3F8E]  }
0x1a: {  	s8 =	sadd.s32 $0xFFFFE003, lr  }
0x1b: {  	s9 =	sadd.s32 $0xFFFFFEF7, lr;
	s5 =	simm.s32 $0xFFFFFFFF;
	p2 =	slt.u32 s8, $0xFFFFF086  }
0x1c: {  	p1 =	slt.u32 s9, $0xF7A;
	s5 =	simm.s32 @!p2 $0x0  }
0x1d: {  	s5 =	simm.s32 @p1 $0x1;
	p0 =	seq.s32 s7, s2  }
0x1e: {  	s7 =	smul.u32 @!p0 $0xF7A, s2;
	p2 =	seq.s32 @!p0 s5, $0x0  }
0x1f: {  	s9 =	smul.u32 $0xF7A, s1;
	s8 =	simm.s32 @!p0 $0x1BF5;
	p2 =	por !p2, p0  }
0x20: {  	[sflag:s8] =	ssyncset.s32 @!p0 $0xFFFFF086;
	s6 =	sadd.s32 @!p0 s3, s7;
	s7 =	simm.s32 @!p0 $0x108  }
0x21: {  	s3 =	sadd.s32 s3, s9;
	s6 =	sadd.s32 @!p0 $0x88, s6;
	s7 =	simm.s32 @p2 $0x1082  }
0x22: {  	[simem:s7], [sflag:s8] =	dma.local @!p0 [hbm:s6], $0xF7A  }
0x23: {  	s9 =	sor.u32 $0xD0000000, s2;
	s6 =	simm.s32 $0x108;
	_ =	swait.ge @!p0 [sflag:s8], $0x0  }
0x24: {  	s3 =	sadd.s32 $0x88, s3;
	s6 =	simm.s32 @!p1 $0x1082;
	[sflag:s4] =	ssyncset.s32 $0xFFFFF086  }
0x25: {  	[simem:s6], [sflag:s4] =	dma.local [hbm:s3], $0xF7A  }
0x26: {  	[smem:$0x3F8E] =	sst s1;
	(tag) =	ssettag s2;
	_ =	strace s9  }
0x27: {  	s1 =	sld [smem:$0x3F9E]  }
0x28: {  	s2 =	sld [smem:$0x3F9F]  }
0x29: {  	s4 =	sld [smem:$0x3FA1]  }
0x2a: {  	p0 =	seq.s32 s5, $0x0;
	s5 =	sld [smem:$0x3FA2]  }
0x2b: {  	s6 =	sld [smem:$0x3FA3]  }
0x2c: {  	s7 =	sld [smem:$0x3FA4]  }
0x2d: {  	s3 =	simm.s32 $0x108;
	s8 =	sld [smem:$0x3FA5]  }
0x2e: {  	s3 =	simm.s32 @!p0 $0x1082;
	s9 =	sld [smem:$0x3FA6]  }
0x2f: {  	lr =	sadd.s32 s0, s3;
	s0 =	sld [smem:$0x3F9D]  }
0x30: {  	s3 =	sld [smem:$0x3FA0]  }
0x31: {  	[smem:$0x3FA9] =	sst s10  }
0x32: {  	s10 =	sld [smem:$0x3FA7];
	_ =	sdelay $0x3  }
0x33: {  	p0 =	seq.s32 s10, $0x1;
	s10 =	sld [smem:$0x3FA9];
	_ =	sdelay $0x3  }
0x34: {  	[smem:$0x3FA9] =	sst s10  }
0x35: {  	s10 =	sld [smem:$0x3FA8];
	_ =	sdelay $0x3  }
0x36: {  	p1 =	seq.s32 s10, $0x1;
	s10 =	sld [smem:$0x3FA9];
	_ =	sdelay $0x3  }
0x37: {  	[smem:$0x3FA9] =	sst s10  }
0x38: {  	s10 =	sld [smem:$0x3FAA]  }
0x39: {  	_ = 	snop;
	(pc) =	sbr.ind lr, $3  }
0x3a: {  	_ = 	snop  }
0x3b: {  	_ = 	snop  }
0x3c: {  	p2 =	seq.s32 s10, $0x1;
	s10 =	sld [smem:$0x3FA9]  }
0x3d: {  	_ =	shalt  }
0x3e: {  	_ =	shalt  }
0x3f: {  	_ =	shalt  }
0x40: {  	_ =	shalt  }
0x41: {  	_ =	shalt  }
0x42: {  	_ =	shalt  }
0x43: {  	_ =	shalt  }
0x44: {  	_ =	shalt  }
0x45: {  	_ =	shalt  }
0x46: {  	_ =	shalt  }
0x47: {  	_ =	shalt  }
0x48: {  	_ =	shalt  }
0x49: {  	_ =	shalt  }
0x4a: {  	_ =	shalt  }
0x4b: {  	_ =	shalt  }
0x4c: {  	_ =	shalt  }
0x4d: {  	_ =	shalt  }
0x4e: {  	_ =	shalt  }
0x4f: {  	_ =	shalt  }
0x50: {  	_ =	shalt  }
0x51: {  	_ =	shalt  }
0x52: {  	_ =	shalt  }
0x53: {  	_ =	shalt  }
0x54: {  	_ =	shalt  }
0x55: {  	_ =	shalt  }
0x56: {  	_ =	shalt  }
0x57: {  	_ =	shalt  }
0x58: {  	_ =	shalt  }
0x59: {  	_ =	shalt  }
0x5a: {  	_ =	shalt  }
0x5b: {  	_ =	shalt  }
0x5c: {  	_ =	shalt  }
0x5d: {  	_ =	shalt  }
0x5e: {  	_ =	shalt  }
0x5f: {  	_ =	shalt  }
0x60: {  	_ =	shalt  }
0x61: {  	_ =	shalt  }
0x62: {  	_ =	shalt  }
0x63: {  	_ =	shalt  }
0x64: {  	_ =	shalt  }
0x65: {  	_ =	shalt  }
0x66: {  	_ =	shalt  }
0x67: {  	_ =	shalt  }
0x68: {  	_ =	shalt  }
0x69: {  	_ =	shalt  }
0x6a: {  	_ =	shalt  }
0x6b: {  	_ =	shalt  }
0x6c: {  	_ =	shalt  }
0x6d: {  	_ =	shalt  }
0x6e: {  	_ =	shalt  }
0x6f: {  	_ =	shalt  }
0x70: {  	_ =	shalt  }
0x71: {  	_ =	shalt  }
0x72: {  	_ =	shalt  }
0x73: {  	_ =	shalt  }
0x74: {  	_ =	shalt  }
0x75: {  	_ =	shalt  }
0x76: {  	_ =	shalt  }
0x77: {  	_ =	shalt  }
0x78: {  	_ =	shalt  }
0x79: {  	_ =	shalt  }
0x7a: {  	_ =	shalt  }
0x7b: {  	_ =	shalt  }
0x7c: {  	_ =	shalt  }
0x7d: {  	_ =	shalt  }
0x7e: {  	_ =	shalt  }
0x7f: {  	_ =	shalt  }
0x80: {  	_ =	shalt  }
0x81: {  	_ =	shalt  }
0x82: {  	_ =	shalt  }
0x83: {  	_ =	shalt  }
0x84: {  	_ =	shalt  }
0x85: {  	_ =	shalt  }
0x86: {  	_ =	shalt  }
0x87: {  	_ =	shalt  }
.Lfunc_end0:
.L_simem_size_0:
called_computation.1_lowered:
.L_overlay_start_0:
0x88: {  	s2 =	sld [smem:$0x3FD9]  }
0x89: {  	s3 =	sld [smem:$0x3FFE];
	_ =	sdelay $0x1  }
0x8a: {  	s1 =	srdreg.scid  }
0x8b: {  	s0 =	sand.u32 $0x1, s1  }
0x8c: {  	s17 =	sshll.u32 s0, $0xA;
	s2 =	sadd.s32 s3, s2  }
0x8d: {  	s2 =	sadd.s32 s2, s17  }
0x8e: {  	[smem:$0x3FB5] =	sst s2  }
0x8f: {  	_ = 	snop  }
0x90: {  	s2 =	sld [smem:$0x3FD0];
	(tm) =	ssettm $0x1  }
0x91: {  	s18 =	sld [smem:$0x3FFB];
	_ =	sdelay $0x3  }
0x92: {  	_ =	strace s18  }
0x93: {  	s3 =	sld [smem:$0x3FFC];
	_ =	sdelay $0x3  }
0x94: {  	_ =	strace s3  }
0x95: {  	s3 =	sld [smem:$0x3FFD];
	_ =	sdelay $0x3  }
0x96: {  	_ =	strace s3  }
0x97: {  	_ =	strace $0x8FFFFFFF  }
0x98: {  	s19 =	sld [smem:$0x3FDB];
	_ =	sdelay $0x1  }
0x99: {  	s4 =	simm.s32 $_scs_section_size  }
0x9a: {  	s5 =	simm.s32 $_size__tile_overlayer_lowered;
	s6 =	simm.s32 $_tile_overlayer_lowered  }
0x9b: {  	s22 =	simm.s32 $0x1BFF;
	s21 =	sshll.u32 s6, $0x1;
	s3 =	sadd.s32 s4, s19  }
0x9c: {  	s7 =	simm.s32 $0x0;
	s20 =	sshll.u32 s5, $0x1;
	s5 =	sadd.s32 s21, s3  }
0x9d: {  	[timem:s7], [sflag:s22] =	dma.local [hbm:s5], s20  }
0x9e: {  	_ =	swait.ge [sflag:s22], s20  }
0x9f: {  	s4 =	ssub.s32 $0x0, s20;
	[sflag:s22] =	ssyncset.done $0x0  }
0xa0: {  	[sflag:s22] =	ssyncadd.s32 s4;
	_ =	sdelay $0x1  }
0xa1: {  	s23 =	simm.s32 $0x1B8B  }
0xa2: {  	_ =	swait.ge [sflag:s23], $0x1  }
0xa3: {  	[sflag:s23] =	ssyncset.done $0x0  }
0xa4: {  	s25 =	simm.s32 $0x1B8E;
	s24 =	sld [smem:$0x3FFE];
	[sflag:s23] =	ssyncadd.s32 $0xFFFFFFFF  }
0xa5: {  	s26 =	simm.s32 $execute0_lowered;
	[smem:$0x3FD2] =	sst s25  }
0xa6: {  	s5 =	sshll.u32 s26, $0x1;
	_ =	strace $0x80000049;
	[dreg:$0x1] =	wrdreg $0xFFFFFFFF  }
0xa7: {  	s28 =	simm.s32 $_size_execute0_lowered;
	s3 =	sadd.s32 s3, s5;
	[dreg:$0x0] =	wrdreg $0x0  }
0xa8: {  	s5 =	sshll.u32 s28, $0x1;
	[dreg:$0x2] =	wrdreg s3  }
0xa9: {  	[dreg:$0x3] =	wrdreg s5  }
0xaa: {  	[dreg:$0x4] =	wrdreg $0xC0  }
0xab: {  	_ =	task [dreg:s7], $0x5FFFF  }
0xac: {  	[dreg:$0x1] =	wrdreg $0xFFFFFFFF  }
0xad: {  	[dreg:$0x0] =	wrdreg $0x60  }
0xae: {  	[dreg:$0x2] =	wrdreg s24  }
0xaf: {  	[dreg:$0x3] =	wrdreg s2  }
0xb0: {  	[dreg:$0x4] =	wrdreg $0x42000  }
0xb1: {  	[dreg:$0x5] =	wrdreg $0x9  }
0xb2: {  	_ =	task.clear_ibuf [dreg:s7], $0x6FFFF;
	_ =	strace $0x90000049  }
0xb3: {  	s29 =	simm.s32 $0x9;
	_ =	strace $0x8000004B  }
0xb4: {  	_ =	swait.ge [sflag:s29], $0x1  }
0xb5: {  	[sflag:s29] =	ssyncadd.s32 $0xFFFFFFFF  }
0xb6: {  	_ =	strace $0x9000004B  }
0xb7: {  	_ =	sfence  }
0xb8: {  	s30 =	sld [smem:$0x0];
	_ =	sdelay $0x2  }
0xb9: {  	s31 =	sshll.u32 s1, $0xD;
	s1 =	sshrl.u32 s1, $0x2  }
0xba: {  	s3 =	sand.u32 $0x4000, s31;
	s1 =	sadd.s32 s1, s30  }
0xbb: {  	s0 =	sor.u32 s3, s0;
	s1 =	sshll.u32 s1, $0x11  }
0xbc: {  	s0 =	sor.u32 s1, s0  }
0xbd: {  	s0 =	sadd.s32 $0x8F2B, s0  }
0xbe: {  	[sflag:s0] =	ssyncadd.remote.s32 $0x1  }
0xbf: {  	_ =	sfence.sel $0xFFFF  }
0xc0: {  	[dreg:$0x0] =	wrdreg $0xFFFFFFFF;
	(pc) =	sbr.abs _section_cstart, $3  }
0xc1: {  	[dreg:$0x1] =	wrdreg $0xFFFFFFFF  }
0xc2: {  	_ =	task.clear_ibuf [dreg:s7], $0x2FFFF;
	_ =	strace $0x9FFFFFFF  }
0xc3: {  	(tm) =	ssettm $0x7FFFFFFF  }
tec
execute0_lowered:
.L_overlay_start_1:
0x0: {  	(tag) =	ssettag $0x1  }
0x1: {  	s5 =	rddreg [dreg:$0x0]  }
0x2: {  	s1 =	rddreg [dreg:$0x1]  }
0x3: {  	s2 =	rddreg [dreg:$0x2]  }
0x4: {  	s3 =	simm.s32 $0x0;
	s6 =	srdreg.scid;
	s4 =	stileid.u32  }
0x5: {  	s21 =	simm.s32 $0x80;
	s22 =	simm.s32 $0x100;
	s28 =	simm.s32 $0x2  }
0x6: {  	s29 =	simm.s32 $0x0;
	[smem:$0x7FF] =	sst s3;
	s23 =	smul.u32 $0x4F000, s4  }
0x7: {  	s18 =	sadd.s32 $0xEC00, s5;
	s17 =	sadd.s32 $0x4A00, s5;
	s16 =	smul.u32 $0x13800, s4  }
0x8: {  	s12 =	sand.u32 $0x1, s6;
	s13 =	sadd.s32 $0x18E00, s5;
	s19 =	smul.u32 $0x4E000, s4  }
0x9: {  	s26 =	smul.u32 $0x2800, s4;
	p0 =	sne.s32 s4, $0xF;
	_ =	strace $0x8000004A  }
0xa: {  	s24 =	ssub.s32 $0x2, s12;
	s7 =	sshll.u32 s12, $0x4;
	s15 =	smul.u32 $0x138800, s12  }
0xb: {  	s20 =	smul.u32 $0x28000, s12;
	s8 =	sshrl.u32 s24, $0x1;
	s7 =	sor.u32 s4, s7  }
0xc: {  	s6 =	sshrl.u32 s23, $0x2;
	s19 =	sshrl.u32 s19, $0x2;
	s23 =	simm.s32 $0x180  }
0xd: {  	s14 =	ssub.s32 s24, s8;
	s5 =	sadd.s32 s6, s2;
	s9 =	smul.u32 $0x2800, s7  }
0xe: {  	s16 =	sadd.s32 s16, s15;
	s15 =	sshrl.u32 s15, $0x3;
	s24 =	sadd.s32 s19, s2  }
0xf: {  	s30 =	sadd.s32 s26, s20;
	s19 =	simm.s32 $0x200;
	s20 =	simm.s32 $0x3  }
0x10: {  	s26 =	simm.s32 $0x1;
	s6 =	sadd.s32 $0x4000, s5;
	s7 =	sadd.s32 $0x8000, s5  }
0x11: {  	s8 =	sadd.s32 $0xC000, s5;
	s25 =	sshrl.u32 s16, $0x3;
	s16 =	sor.u32 $0x100, s30  }
0x12: {  	s14 =	smax.u32 s14, $0x1;
	s24 =	sshrl.u32 s24, $0x3;
	s11 =	sshrl.u32 s9, $0x3  }
0x13: {  	s9 =	sadd.s32 $0x10000, s5;
	s12 =	sadd.s32 s13, s25;
	s13 =	sadd.s32 s13, s15  }
0x14: {  	s25 =	sadd.s32 $0x138000, s2;
	s15 =	sor.u32 $0x80, s30;
	s16 =	sshrl.u32 s16, $0x3  }
0x15: {  	s10 =	sadd.s32 s18, s11;
	s11 =	sadd.s32 s17, s11;
	s13 =	sadd.s32 $0x27000, s13  }
0x16: {  	s31 =	sshrl.u32 s15, $0x3;
	s15 =	sadd.s32 s16, s17;
	s16 =	sadd.s32 s16, s18  }
0x17: {  	v0 =	vimm.f32 $0.0e+00;
	s25 =	sshrl.u32 @!p0 s25, $0x3;
	s17 =	sadd.s32 s31, s17;
	s18 =	sadd.s32 s31, s18  }
.LBB2_1:
0x18: {  	s30 =	simm.s32 $0x0;
	s31 =	simm.s32 $0x200  }
.LBB2_2:
0x19: {  	p1 =	sne.s32 s31, $0xFE00;
	[tilespmem:s30+$0x270] =	vst v0  }
0x1a: {  	[tilespmem:s30+$0x200] =	vst v0  }
0x1b: {  	[tilespmem:s30+$0x210] =	vst v0  }
.Ltmp0:
0x1c: {  	[tilespmem:s30+$0x220] =	vst v0;
	(pc) =	sbr.rel @p1 .LBB2_2-.Ltmp0, $4  }
0x1d: {  	[tilespmem:s30+$0x230] =	vst v0  }
0x1e: {  	[tilespmem:s30+$0x240] =	vst v0  }
0x1f: {  	[tilespmem:s30+$0x250] =	vst v0  }
0x20: {  	[tilespmem:s30+$0x260] =	vst v0;
	s30 =	sshra.s32 s31, $0x2;
	s31 =	sadd.s32 $0x200, s31  }
0x21: {  	[tilespmem:s30+$0x270] =	vst v0  }
0x22: {  	[tilespmem:s30+$0x200] =	vst v0  }
0x23: {  	[tilespmem:s30+$0x210] =	vst v0  }
0x24: {  	[tilespmem:s30+$0x220] =	vst v0  }
0x25: {  	[tilespmem:s30+$0x230] =	vst v0  }
0x26: {  	[tilespmem:s30+$0x240] =	vst v0  }
0x27: {  	[tilespmem:s30+$0x250] =	vst v0  }
0x28: {  	[tilespmem:s30+$0x260] =	vst v0  }
0x29: {  	[spmem:s5] =	stream.linear.scatter [tilespmem:s19], [sflag:$0x3], $0x4000, $0x38;
	[tilespmem:$0x17E00] =	vst v63  }
0x2a: {  	_ =	swait.ge [sflag:s20], $0x4000  }
0x2b: {  	[sflag:s20] =	ssyncset.done $0x0  }
0x2c: {  	[sflag:s20] =	ssyncadd.s32 $0xFFFFC000  }
0x2d: {  	[spmem:s6] =	stream.linear.scatter [tilespmem:s19], [sflag:$0x3], $0x4000, $0x38;
	[tilespmem:$0x17E00] =	vst v63  }
0x2e: {  	_ =	swait.ge [sflag:s20], $0x4000  }
0x2f: {  	[sflag:s20] =	ssyncset.done $0x0  }
0x30: {  	[sflag:s20] =	ssyncadd.s32 $0xFFFFC000  }
0x31: {  	[spmem:s7] =	stream.linear.scatter [tilespmem:s19], [sflag:$0x3], $0x4000, $0x38;
	[tilespmem:$0x17E00] =	vst v63  }
0x32: {  	_ =	swait.ge [sflag:s20], $0x4000  }
0x33: {  	[sflag:s20] =	ssyncset.done $0x0  }
0x34: {  	[sflag:s20] =	ssyncadd.s32 $0xFFFFC000  }
0x35: {  	[spmem:s8] =	stream.linear.scatter [tilespmem:s19], [sflag:$0x3], $0x4000, $0x38;
	[tilespmem:$0x17E00] =	vst v63  }
0x36: {  	_ =	swait.ge [sflag:s20], $0x4000  }
0x37: {  	[sflag:s20] =	ssyncset.done $0x0  }
0x38: {  	[sflag:s20] =	ssyncadd.s32 $0xFFFFC000  }
0x39: {  	[spmem:s9] =	stream.linear.scatter [tilespmem:s19], [sflag:$0x3], $0x3C00, $0x38;
	[tilespmem:$0x17E00] =	vst v63  }
0x3a: {  	_ =	swait.ge [sflag:s20], $0x3C00  }
0x3b: {  	[sflag:s20] =	ssyncset.done $0x0  }
0x3c: {  	[sflag:s20] =	ssyncadd.s32 $0xFFFFC400  }
0x3d: {  	s30 =	simm.s32 $0x0;
	[bflag:$0x0] =	sbarrier.arrive $0xFFFF  }
0x3e: {  	[tilespmem:s30], [sflag:$0x3] =	stream.linear.gather [hbm4b:s10+s30], $0x80, $0x38;
	[tilespmem:$0x17E00] =	vst v63  }
0x3f: {  	_ =	swait.ge [sflag:s20], $0x80  }
0x40: {  	[sflag:s20] =	ssyncset.done $0x0  }
0x41: {  	[sflag:s20] =	ssyncadd.s32 $0xFFFFFF80  }
0x42: {  	[tilespmem:s21], [sflag:$0x3] =	stream.linear.gather [hbm4b:s11+s30], $0x80, $0x38;
	[tilespmem:$0x17E00] =	vst v63  }
0x43: {  	_ =	swait.ge [sflag:s20], $0x80  }
0x44: {  	[sflag:s20] =	ssyncset.done $0x0  }
0x45: {  	[sflag:s20] =	ssyncadd.s32 $0xFFFFFF80  }
0x46: {  	[tilespmem:s19], [sflag:$0x1] =	stream.indirect.gather [hbm4b:s1+s21], $0x80, s3, s21, $0xb8;
	[tilespmem:$0x17E00] =	vst v63  }
0x47: {  	s30 =	sadd.s32 $0x0, s18  }
0x48: {  	[tilespmem:s22], [sflag:$0x3] =	stream.linear.gather [hbm4b:s30+s3], $0x80, $0x38;
	[tilespmem:$0x17E00] =	vst v63  }
0x49: {  	_ =	swait.ge [sflag:s20], $0x80  }
0x4a: {  	[sflag:s20] =	ssyncset.done $0x0  }
0x4b: {  	s30 =	sadd.s32 $0x0, s17;
	[sflag:s20] =	ssyncadd.s32 $0xFFFFFF80  }
0x4c: {  	[tilespmem:s23], [sflag:$0x3] =	stream.linear.gather [hbm4b:s30+s3], $0x80, $0x38;
	[tilespmem:$0x17E00] =	vst v63  }
0x4d: {  	_ =	swait.ge [sflag:s20], $0x80  }
0x4e: {  	[sflag:s20] =	ssyncset.done $0x0  }
0x4f: {  	[sflag:s20] =	ssyncadd.s32 $0xFFFFFF80  }
0x50: {  	_ =	swait.ge [sflag:s26], $0x4000  }
0x51: {  	[sflag:s26] =	ssyncset.done $0x0  }
0x52: {  	[sflag:s26] =	ssyncadd.s32 $0xFFFFC000  }
0x53: {  	[spmem:s2] =	stream.indirect.scatter.add.f32 [tilespmem:s19], [sflag:$0x2], $0x80, s21, s21, $0xb8;
	[tilespmem:$0x17E00] =	vst v63  }
0x54: {  	_ =	swait.ge [sflag:s28], $0x4000  }
0x55: {  	[sflag:s28] =	ssyncset.done $0x0  }
0x56: {  	[sflag:s28] =	ssyncadd.s32 $0xFFFFC000  }
0x57: {  	[tilespmem:s19], [sflag:$0x1] =	stream.indirect.gather [hbm4b:s1+s21], $0x80, s22, s21, $0xb8;
	[tilespmem:$0x17E00] =	vst v63  }
0x58: {  	s30 =	sadd.s32 $0x0, s16  }
0x59: {  	[tilespmem:s3], [sflag:$0x3] =	stream.linear.gather [hbm4b:s30+s3], $0x80, $0x38;
	[tilespmem:$0x17E00] =	vst v63  }
0x5a: {  	_ =	swait.ge [sflag:s20], $0x80  }
0x5b: {  	[sflag:s20] =	ssyncset.done $0x0  }
0x5c: {  	s30 =	sadd.s32 $0x0, s15;
	[sflag:s20] =	ssyncadd.s32 $0xFFFFFF80  }
0x5d: {  	[tilespmem:s21], [sflag:$0x3] =	stream.linear.gather [hbm4b:s30+s3], $0x80, $0x38;
	[tilespmem:$0x17E00] =	vst v63  }
0x5e: {  	_ =	swait.ge [sflag:s20], $0x80  }
0x5f: {  	[sflag:s20] =	ssyncset.done $0x0  }
0x60: {  	[sflag:s20] =	ssyncadd.s32 $0xFFFFFF80  }
0x61: {  	_ =	swait.ge [sflag:s26], $0x4000  }
0x62: {  	[sflag:s26] =	ssyncset.done $0x0  }
0x63: {  	[sflag:s26] =	ssyncadd.s32 $0xFFFFC000  }
0x64: {  	[spmem:s2] =	stream.indirect.scatter.add.f32 [tilespmem:s19], [sflag:$0x2], $0x80, s23, s21, $0xb8;
	[tilespmem:$0x17E00] =	vst v63  }
0x65: {  	_ =	swait.ge [sflag:s28], $0x4000  }
0x66: {  	s30 =	simm.s32 $0x20;
	[sflag:s28] =	ssyncset.done $0x0  }
.LBB2_4:
0x67: {  	p1 =	sne.s32 s30, $0x4E0  }
0x68: {  	[sflag:s28] =	ssyncadd.s32 $0xFFFFC000;
	s31 =	smov.u32 s30;
	s30 =	sadd.s32 $0x20, s30  }
0x69: {  	[tilespmem:s19], [sflag:$0x1] =	stream.indirect.gather [hbm4b:s1+s21], $0x80, s3, s21, $0xb8;
	[tilespmem:$0x17E00] =	vst v63  }
0x6a: {  	s0 =	sadd.s32 s31, s18  }
0x6b: {  	[tilespmem:s22], [sflag:$0x3] =	stream.linear.gather [hbm4b:s0+s3], $0x80, $0x38;
	[tilespmem:$0x17E00] =	vst v63  }
0x6c: {  	_ =	swait.ge [sflag:s20], $0x80  }
0x6d: {  	[sflag:s20] =	ssyncset.done $0x0  }
0x6e: {  	s0 =	sadd.s32 s31, s17;
	[sflag:s20] =	ssyncadd.s32 $0xFFFFFF80  }
0x6f: {  	[tilespmem:s23], [sflag:$0x3] =	stream.linear.gather [hbm4b:s0+s3], $0x80, $0x38;
	[tilespmem:$0x17E00] =	vst v63  }
0x70: {  	_ =	swait.ge [sflag:s20], $0x80  }
0x71: {  	[sflag:s20] =	ssyncset.done $0x0  }
0x72: {  	[sflag:s20] =	ssyncadd.s32 $0xFFFFFF80  }
0x73: {  	_ =	swait.ge [sflag:s26], $0x4000  }
0x74: {  	[sflag:s26] =	ssyncset.done $0x0  }
0x75: {  	[sflag:s26] =	ssyncadd.s32 $0xFFFFC000  }
0x76: {  	[spmem:s2] =	stream.indirect.scatter.add.f32 [tilespmem:s19], [sflag:$0x2], $0x80, s21, s21, $0xb8;
	[tilespmem:$0x17E00] =	vst v63  }
0x77: {  	_ =	swait.ge [sflag:s28], $0x4000  }
0x78: {  	[sflag:s28] =	ssyncset.done $0x0  }
0x79: {  	[sflag:s28] =	ssyncadd.s32 $0xFFFFC000  }
0x7a: {  	[tilespmem:s19], [sflag:$0x1] =	stream.indirect.gather [hbm4b:s1+s21], $0x80, s22, s21, $0xb8;
	[tilespmem:$0x17E00] =	vst v63  }
0x7b: {  	s0 =	sadd.s32 s31, s16  }
0x7c: {  	[tilespmem:s3], [sflag:$0x3] =	stream.linear.gather [hbm4b:s0+s3], $0x80, $0x38;
	[tilespmem:$0x17E00] =	vst v63  }
0x7d: {  	_ =	swait.ge [sflag:s20], $0x80  }
0x7e: {  	[sflag:s20] =	ssyncset.done $0x0  }
0x7f: {  	s0 =	sadd.s32 s31, s15;
	[sflag:s20] =	ssyncadd.s32 $0xFFFFFF80  }
0x80: {  	[tilespmem:s21], [sflag:$0x3] =	stream.linear.gather [hbm4b:s0+s3], $0x80, $0x38;
	[tilespmem:$0x17E00] =	vst v63  }
0x81: {  	_ =	swait.ge [sflag:s20], $0x80  }
0x82: {  	[sflag:s20] =	ssyncset.done $0x0  }
0x83: {  	[sflag:s20] =	ssyncadd.s32 $0xFFFFFF80  }
0x84: {  	_ =	swait.ge [sflag:s26], $0x4000  }
.Ltmp1:
0x85: {  	[sflag:s26] =	ssyncset.done $0x0;
	(pc) =	sbr.rel @p1 .LBB2_4-.Ltmp1, $4  }
0x86: {  	[sflag:s26] =	ssyncadd.s32 $0xFFFFC000  }
0x87: {  	[spmem:s2] =	stream.indirect.scatter.add.f32 [tilespmem:s19], [sflag:$0x2], $0x80, s23, s21, $0xb8;
	[tilespmem:$0x17E00] =	vst v63  }
0x88: {  	_ =	swait.ge [sflag:s28], $0x4000  }
0x89: {  	[sflag:s28] =	ssyncset.done $0x0  }
0x8a: {  	[sflag:s28] =	ssyncadd.s32 $0xFFFFC000;
	s0 =	sshll.u32 s4, $0x6  }
0x8b: {  	[bflag:$0x0] =	sbarrier.arrive $0xFFFF;
	s0 =	sor.u32 $0x1C03, s0  }
0x8c: {  	[hbm:s12], [sflag:s0] =	dma.local [spmem:s24], $0x2700  }
0x8d: {  	_ =	swait.ge [sflag:s20], $0x2700  }
0x8e: {  	s29 =	sadd.s32 $0x1, s29;
	[sflag:s20] =	ssyncset.done $0x0  }
0x8f: {  	p1 =	sne.s32 s29, s14;
	[sflag:s20] =	ssyncadd.s32 $0xFFFFD900  }
0x90: {  	[hbm:s13], [sflag:s0] =	dma.local @!p0 [spmem:s25], $0x100  }
.Ltmp2:
0x91: {  	_ = 	snop;
	(pc) =	sbr.rel @p1 .LBB2_1-.Ltmp2, $4  }
0x92: {  	s0 =	simm.s32 @!p0 $0x3  }
0x93: {  	_ =	swait.ge @!p0 [sflag:s0], $0x100  }
0x94: {  	[sflag:s0] =	ssyncset.done @!p0 $0x0  }
0x95: {  	[sflag:s0] =	ssyncadd.s32 @!p0 $0xFFFFFF00  }
0x96: {  	_ =	sfence.sel $0x180000  }
0x97: {  	[bflag:$0x0] =	sbarrier.arrive $0xFFFF  }
0x98: {  	_ =	strace $0x9000004A  }
0x99: {  	[bflag:$0x2] =	sbarrier.arrive $0xFFFF  }
0x9a: {  	p0 =	sne.s32 s4, $0x0;
	s0 =	rddreg [dreg:$0x3]  }
0x9b: {  	s0 =	sadd.s32 @!p0 $0x100000, s0  }
0x9c: {  	[sflag:s0] =	ssyncadd.tile.s32 @!p0 $0x1;
	_ =	shalt  }
.Lfunc_end2:
_tile_overlayer_lowered:
.L_overlay_start_2:
0x9d: {  	(tag) =	ssettag $0x2  }
0x9e: {  	s0 =	rddreg [dreg:$0x0];
	s2 =	stileid.u32  }
0x9f: {  	s1 =	rddreg [dreg:$0x1];
	p0 =	sne.s32 s2, $0x0  }
0xa0: {  	s3 =	rddreg [dreg:$0x2];
	[bflag:$0x3] =	sbarrier.arrive $0xFFFF;
	s2 =	simm.s32 @!p0 $0x1C03  }
0xa1: {  	[timem:s3], [sflag:s2] =	dma.local @!p0 [hbm:s0], s1  }
0xa2: {  	s0 =	simm.s32 @!p0 $0x3  }
0xa3: {  	_ =	swait.ge @!p0 [sflag:s0], s1  }
0xa4: {  	s1 =	ssub.s32 @!p0 $0x0, s1;
	[sflag:s0] =	ssyncset.done @!p0 $0x0  }
0xa5: {  	[sflag:s0] =	ssyncadd.s32 @!p0 s1  }
0xa6: {  	[bflag:$0x3] =	sbarrier.arrive $0xFFFF  }
0xa7: {  	_ =	shalt  }

// kernel: kernel.15.cloned.1.call-start
scs
__scs_entry_jumppad:
0x0: {  	(pc) =	sbr.rel $0x88, $3  }
0x1: {  	(tag) =	ssettag $0x0;
	lr =	simm.s32 $0x1  }
0x2: {  	[smem:$0x3F8E] =	sst lr;
	_ =	strace $0xD0000000  }
0x3: {  	_ = 	snop  }
0x4: {  	_ = 	snop  }
0x5: {  	_ = 	snop  }
0x6: {  	_ = 	snop  }
0x7: {  	_ = 	snop  }
__scs_overlays_trampoline_lowered:
0x8: {  	[smem:$0x3F9D] =	sst s0  }
0x9: {  	[smem:$0x3F9E] =	sst s1  }
0xa: {  	[smem:$0x3F9F] =	sst s2  }
0xb: {  	[smem:$0x3FA0] =	sst s3  }
0xc: {  	[smem:$0x3FA1] =	sst s4  }
0xd: {  	[smem:$0x3FA2] =	sst s5  }
0xe: {  	[smem:$0x3FA3] =	sst s6  }
0xf: {  	[smem:$0x3FA4] =	sst s7  }
0x10: {  	[smem:$0x3FA5] =	sst s8  }
0x11: {  	[smem:$0x3FA6] =	sst s9;
	s0 =	simm.s32 @!p0 $0x0  }
0x12: {  	s1 =	sld [smem:$0x3F8C];
	s0 =	simm.s32 @p0 $0x1  }
0x13: {  	[smem:$0x3FA7] =	sst s0;
	s0 =	simm.s32 @!p1 $0x0  }
0x14: {  	s2 =	sld [smem:$0x3F8B];
	s0 =	simm.s32 @p1 $0x1  }
0x15: {  	[smem:$0x3FA8] =	sst s0;
	s0 =	simm.s32 @!p2 $0x0  }
0x16: {  	s3 =	sld [smem:$0x3FDB];
	s0 =	simm.s32 @p2 $0x1  }
0x17: {  	s4 =	simm.s32 $0x1BF5;
	[smem:$0x3FAA] =	sst s0  }
0x18: {  	s0 =	sld [smem:$0x3F8D];
	_ =	swait.ge [sflag:s4], $0x0  }
0x19: {  	s7 =	sld [smem:$0x3F8E]  }
0x1a: {  	s8 =	sadd.s32 $0xFFFFE003, lr  }
0x1b: {  	s9 =	sadd.s32 $0xFFFFFEF7, lr;
	s5 =	simm.s32 $0xFFFFFFFF;
	p2 =	slt.u32 s8, $0xFFFFF086  }
0x1c: {  	p1 =	slt.u32 s9, $0xF7A;
	s5 =	simm.s32 @!p2 $0x0  }
0x1d: {  	s5 =	simm.s32 @p1 $0x1;
	p0 =	seq.s32 s7, s2  }
0x1e: {  	s7 =	smul.u32 @!p0 $0xF7A, s2;
	p2 =	seq.s32 @!p0 s5, $0x0  }
0x1f: {  	s9 =	smul.u32 $0xF7A, s1;
	s8 =	simm.s32 @!p0 $0x1BF5;
	p2 =	por !p2, p0  }
0x20: {  	[sflag:s8] =	ssyncset.s32 @!p0 $0xFFFFF086;
	s6 =	sadd.s32 @!p0 s3, s7;
	s7 =	simm.s32 @!p0 $0x108  }
0x21: {  	s3 =	sadd.s32 s3, s9;
	s6 =	sadd.s32 @!p0 $0x88, s6;
	s7 =	simm.s32 @p2 $0x1082  }
0x22: {  	[simem:s7], [sflag:s8] =	dma.local @!p0 [hbm:s6], $0xF7A  }
0x23: {  	s9 =	sor.u32 $0xD0000000, s2;
	s6 =	simm.s32 $0x108;
	_ =	swait.ge @!p0 [sflag:s8], $0x0  }
0x24: {  	s3 =	sadd.s32 $0x88, s3;
	s6 =	simm.s32 @!p1 $0x1082;
	[sflag:s4] =	ssyncset.s32 $0xFFFFF086  }
0x25: {  	[simem:s6], [sflag:s4] =	dma.local [hbm:s3], $0xF7A  }
0x26: {  	[smem:$0x3F8E] =	sst s1;
	(tag) =	ssettag s2;
	_ =	strace s9  }
0x27: {  	s1 =	sld [smem:$0x3F9E]  }
0x28: {  	s2 =	sld [smem:$0x3F9F]  }
0x29: {  	s4 =	sld [smem:$0x3FA1]  }
0x2a: {  	p0 =	seq.s32 s5, $0x0;
	s5 =	sld [smem:$0x3FA2]  }
0x2b: {  	s6 =	sld [smem:$0x3FA3]  }
0x2c: {  	s7 =	sld [smem:$0x3FA4]  }
0x2d: {  	s3 =	simm.s32 $0x108;
	s8 =	sld [smem:$0x3FA5]  }
0x2e: {  	s3 =	simm.s32 @!p0 $0x1082;
	s9 =	sld [smem:$0x3FA6]  }
0x2f: {  	lr =	sadd.s32 s0, s3;
	s0 =	sld [smem:$0x3F9D]  }
0x30: {  	s3 =	sld [smem:$0x3FA0]  }
0x31: {  	[smem:$0x3FA9] =	sst s10  }
0x32: {  	s10 =	sld [smem:$0x3FA7];
	_ =	sdelay $0x3  }
0x33: {  	p0 =	seq.s32 s10, $0x1;
	s10 =	sld [smem:$0x3FA9];
	_ =	sdelay $0x3  }
0x34: {  	[smem:$0x3FA9] =	sst s10  }
0x35: {  	s10 =	sld [smem:$0x3FA8];
	_ =	sdelay $0x3  }
0x36: {  	p1 =	seq.s32 s10, $0x1;
	s10 =	sld [smem:$0x3FA9];
	_ =	sdelay $0x3  }
0x37: {  	[smem:$0x3FA9] =	sst s10  }
0x38: {  	s10 =	sld [smem:$0x3FAA]  }
0x39: {  	_ = 	snop;
	(pc) =	sbr.ind lr, $3  }
0x3a: {  	_ = 	snop  }
0x3b: {  	_ = 	snop  }
0x3c: {  	p2 =	seq.s32 s10, $0x1;
	s10 =	sld [smem:$0x3FA9]  }
0x3d: {  	_ =	shalt  }
0x3e: {  	_ =	shalt  }
0x3f: {  	_ =	shalt  }
0x40: {  	_ =	shalt  }
0x41: {  	_ =	shalt  }
0x42: {  	_ =	shalt  }
0x43: {  	_ =	shalt  }
0x44: {  	_ =	shalt  }
0x45: {  	_ =	shalt  }
0x46: {  	_ =	shalt  }
0x47: {  	_ =	shalt  }
0x48: {  	_ =	shalt  }
0x49: {  	_ =	shalt  }
0x4a: {  	_ =	shalt  }
0x4b: {  	_ =	shalt  }
0x4c: {  	_ =	shalt  }
0x4d: {  	_ =	shalt  }
0x4e: {  	_ =	shalt  }
0x4f: {  	_ =	shalt  }
0x50: {  	_ =	shalt  }
0x51: {  	_ =	shalt  }
0x52: {  	_ =	shalt  }
0x53: {  	_ =	shalt  }
0x54: {  	_ =	shalt  }
0x55: {  	_ =	shalt  }
0x56: {  	_ =	shalt  }
0x57: {  	_ =	shalt  }
0x58: {  	_ =	shalt  }
0x59: {  	_ =	shalt  }
0x5a: {  	_ =	shalt  }
0x5b: {  	_ =	shalt  }
0x5c: {  	_ =	shalt  }
0x5d: {  	_ =	shalt  }
0x5e: {  	_ =	shalt  }
0x5f: {  	_ =	shalt  }
0x60: {  	_ =	shalt  }
0x61: {  	_ =	shalt  }
0x62: {  	_ =	shalt  }
0x63: {  	_ =	shalt  }
0x64: {  	_ =	shalt  }
0x65: {  	_ =	shalt  }
0x66: {  	_ =	shalt  }
0x67: {  	_ =	shalt  }
0x68: {  	_ =	shalt  }
0x69: {  	_ =	shalt  }
0x6a: {  	_ =	shalt  }
0x6b: {  	_ =	shalt  }
0x6c: {  	_ =	shalt  }
0x6d: {  	_ =	shalt  }
0x6e: {  	_ =	shalt  }
0x6f: {  	_ =	shalt  }
0x70: {  	_ =	shalt  }
0x71: {  	_ =	shalt  }
0x72: {  	_ =	shalt  }
0x73: {  	_ =	shalt  }
0x74: {  	_ =	shalt  }
0x75: {  	_ =	shalt  }
0x76: {  	_ =	shalt  }
0x77: {  	_ =	shalt  }
0x78: {  	_ =	shalt  }
0x79: {  	_ =	shalt  }
0x7a: {  	_ =	shalt  }
0x7b: {  	_ =	shalt  }
0x7c: {  	_ =	shalt  }
0x7d: {  	_ =	shalt  }
0x7e: {  	_ =	shalt  }
0x7f: {  	_ =	shalt  }
0x80: {  	_ =	shalt  }
0x81: {  	_ =	shalt  }
0x82: {  	_ =	shalt  }
0x83: {  	_ =	shalt  }
0x84: {  	_ =	shalt  }
0x85: {  	_ =	shalt  }
0x86: {  	_ =	shalt  }
0x87: {  	_ =	shalt  }
.Lfunc_end0:
.L_simem_size_0:
called_computation.2_lowered:
.L_overlay_start_0:
0x88: {  	s2 =	sld [smem:$0x3FD9]  }
0x89: {  	s3 =	sld [smem:$0x3FFE];
	_ =	sdelay $0x1  }
0x8a: {  	s1 =	srdreg.scid  }
0x8b: {  	s0 =	sand.u32 $0x1, s1  }
0x8c: {  	s17 =	sshll.u32 s0, $0xA;
	s2 =	sadd.s32 s3, s2  }
0x8d: {  	s2 =	sadd.s32 s2, s17  }
0x8e: {  	[smem:$0x3FB5] =	sst s2  }
0x8f: {  	_ = 	snop  }
0x90: {  	s2 =	sld [smem:$0x3FD0];
	(tm) =	ssettm $0x1  }
0x91: {  	s18 =	sld [smem:$0x3FFB];
	_ =	sdelay $0x3  }
0x92: {  	_ =	strace s18  }
0x93: {  	s3 =	sld [smem:$0x3FFC];
	_ =	sdelay $0x3  }
0x94: {  	_ =	strace s3  }
0x95: {  	s3 =	sld [smem:$0x3FFD];
	_ =	sdelay $0x3  }
0x96: {  	_ =	strace s3  }
0x97: {  	_ =	strace $0x8FFFFFFF  }
0x98: {  	s19 =	sld [smem:$0x3FDB];
	_ =	sdelay $0x1  }
0x99: {  	s4 =	simm.s32 $_scs_section_size  }
0x9a: {  	s5 =	simm.s32 $_size__tile_overlayer_lowered;
	s6 =	simm.s32 $_tile_overlayer_lowered  }
0x9b: {  	s22 =	simm.s32 $0x1BFF;
	s21 =	sshll.u32 s6, $0x1;
	s3 =	sadd.s32 s4, s19  }
0x9c: {  	s7 =	simm.s32 $0x0;
	s20 =	sshll.u32 s5, $0x1;
	s5 =	sadd.s32 s21, s3  }
0x9d: {  	[timem:s7], [sflag:s22] =	dma.local [hbm:s5], s20  }
0x9e: {  	_ =	swait.ge [sflag:s22], s20  }
0x9f: {  	s4 =	ssub.s32 $0x0, s20;
	[sflag:s22] =	ssyncset.done $0x0  }
0xa0: {  	[sflag:s22] =	ssyncadd.s32 s4;
	_ =	sdelay $0x1  }
0xa1: {  	s23 =	simm.s32 $0x1B8B  }
0xa2: {  	_ =	swait.ge [sflag:s23], $0x1  }
0xa3: {  	[sflag:s23] =	ssyncset.done $0x0  }
0xa4: {  	s25 =	simm.s32 $0x1B8E;
	s24 =	sld [smem:$0x3FFE];
	[sflag:s23] =	ssyncadd.s32 $0xFFFFFFFF  }
0xa5: {  	s26 =	simm.s32 $execute0_lowered;
	[smem:$0x3FD2] =	sst s25  }
0xa6: {  	s5 =	sshll.u32 s26, $0x1;
	_ =	strace $0x8000004C;
	[dreg:$0x1] =	wrdreg $0xFFFFFFFF  }
0xa7: {  	s28 =	simm.s32 $_size_execute0_lowered;
	s3 =	sadd.s32 s3, s5;
	[dreg:$0x0] =	wrdreg $0x0  }
0xa8: {  	s5 =	sshll.u32 s28, $0x1;
	[dreg:$0x2] =	wrdreg s3  }
0xa9: {  	[dreg:$0x3] =	wrdreg s5  }
0xaa: {  	[dreg:$0x4] =	wrdreg $0xC0  }
0xab: {  	_ =	task [dreg:s7], $0x5FFFF  }
0xac: {  	[dreg:$0x1] =	wrdreg $0xFFFFFFFF  }
0xad: {  	[dreg:$0x0] =	wrdreg $0x60  }
0xae: {  	[dreg:$0x2] =	wrdreg s24  }
0xaf: {  	[dreg:$0x3] =	wrdreg s2  }
0xb0: {  	[dreg:$0x4] =	wrdreg $0x42000  }
0xb1: {  	[dreg:$0x5] =	wrdreg $0x9  }
0xb2: {  	_ =	task.clear_ibuf [dreg:s7], $0x6FFFF;
	_ =	strace $0x9000004C  }
0xb3: {  	s29 =	simm.s32 $0x9;
	_ =	strace $0x8000004E  }
0xb4: {  	_ =	swait.ge [sflag:s29], $0x1  }
0xb5: {  	[sflag:s29] =	ssyncadd.s32 $0xFFFFFFFF  }
0xb6: {  	_ =	strace $0x9000004E  }
0xb7: {  	_ =	sfence  }
0xb8: {  	s30 =	sld [smem:$0x0];
	_ =	sdelay $0x2  }
0xb9: {  	s31 =	sshll.u32 s1, $0xD;
	s1 =	sshrl.u32 s1, $0x2  }
0xba: {  	s3 =	sand.u32 $0x4000, s31;
	s1 =	sadd.s32 s1, s30  }
0xbb: {  	s0 =	sor.u32 s3, s0;
	s1 =	sshll.u32 s1, $0x11  }
0xbc: {  	s0 =	sor.u32 s1, s0  }
0xbd: {  	s0 =	sadd.s32 $0x8F2B, s0  }
0xbe: {  	[sflag:s0] =	ssyncadd.remote.s32 $0x1  }
0xbf: {  	_ =	sfence.sel $0xFFFF  }
0xc0: {  	[dreg:$0x0] =	wrdreg $0xFFFFFFFF;
	(pc) =	sbr.abs _section_cstart, $3  }
0xc1: {  	[dreg:$0x1] =	wrdreg $0xFFFFFFFF  }
0xc2: {  	_ =	task.clear_ibuf [dreg:s7], $0x2FFFF;
	_ =	strace $0x9FFFFFFF  }
0xc3: {  	(tm) =	ssettm $0x7FFFFFFF  }
tec
execute0_lowered:
.L_overlay_start_1:
0x0: {  	(tag) =	ssettag $0x1  }
0x1: {  	s5 =	rddreg [dreg:$0x0]  }
0x2: {  	s1 =	rddreg [dreg:$0x1]  }
0x3: {  	s2 =	rddreg [dreg:$0x2]  }
0x4: {  	s3 =	simm.s32 $0x0;
	s6 =	srdreg.scid;
	s4 =	stileid.u32  }
0x5: {  	s21 =	simm.s32 $0x80;
	s22 =	simm.s32 $0x100;
	s28 =	simm.s32 $0x2  }
0x6: {  	s29 =	simm.s32 $0x0;
	[smem:$0x7FF] =	sst s3;
	s23 =	smul.u32 $0x4F000, s4  }
0x7: {  	s18 =	sadd.s32 $0xEC00, s5;
	s17 =	sadd.s32 $0x4A00, s5;
	s16 =	smul.u32 $0x13800, s4  }
0x8: {  	s12 =	sand.u32 $0x1, s6;
	s13 =	sadd.s32 $0x18E00, s5;
	s19 =	smul.u32 $0x4E000, s4  }
0x9: {  	s26 =	smul.u32 $0x2800, s4;
	p0 =	sne.s32 s4, $0xF;
	_ =	strace $0x8000004D  }
0xa: {  	s24 =	ssub.s32 $0x2, s12;
	s7 =	sshll.u32 s12, $0x4;
	s15 =	smul.u32 $0x138800, s12  }
0xb: {  	s20 =	smul.u32 $0x28000, s12;
	s8 =	sshrl.u32 s24, $0x1;
	s7 =	sor.u32 s4, s7  }
0xc: {  	s6 =	sshrl.u32 s23, $0x2;
	s19 =	sshrl.u32 s19, $0x2;
	s23 =	simm.s32 $0x180  }
0xd: {  	s14 =	ssub.s32 s24, s8;
	s5 =	sadd.s32 s6, s2;
	s9 =	smul.u32 $0x2800, s7  }
0xe: {  	s16 =	sadd.s32 s16, s15;
	s15 =	sshrl.u32 s15, $0x3;
	s24 =	sadd.s32 s19, s2  }
0xf: {  	s30 =	sadd.s32 s26, s20;
	s19 =	simm.s32 $0x200;
	s20 =	simm.s32 $0x3  }
0x10: {  	s26 =	simm.s32 $0x1;
	s6 =	sadd.s32 $0x4000, s5;
	s7 =	sadd.s32 $0x8000, s5  }
0x11: {  	s8 =	sadd.s32 $0xC000, s5;
	s25 =	sshrl.u32 s16, $0x3;
	s16 =	sor.u32 $0x100, s30  }
0x12: {  	s14 =	smax.u32 s14, $0x1;
	s24 =	sshrl.u32 s24, $0x3;
	s11 =	sshrl.u32 s9, $0x3  }
0x13: {  	s9 =	sadd.s32 $0x10000, s5;
	s12 =	sadd.s32 s13, s25;
	s13 =	sadd.s32 s13, s15  }
0x14: {  	s25 =	sadd.s32 $0x138000, s2;
	s15 =	sor.u32 $0x80, s30;
	s16 =	sshrl.u32 s16, $0x3  }
0x15: {  	s10 =	sadd.s32 s18, s11;
	s11 =	sadd.s32 s17, s11;
	s13 =	sadd.s32 $0x27000, s13  }
0x16: {  	s31 =	sshrl.u32 s15, $0x3;
	s15 =	sadd.s32 s16, s17;
	s16 =	sadd.s32 s16, s18  }
0x17: {  	v0 =	vimm.f32 $0.0e+00;
	s25 =	sshrl.u32 @!p0 s25, $0x3;
	s17 =	sadd.s32 s31, s17;
	s18 =	sadd.s32 s31, s18  }
.LBB2_1:
0x18: {  	s30 =	simm.s32 $0x0;
	s31 =	simm.s32 $0x200  }
.LBB2_2:
0x19: {  	p1 =	sne.s32 s31, $0xFE00;
	[tilespmem:s30+$0x270] =	vst v0  }
0x1a: {  	[tilespmem:s30+$0x200] =	vst v0  }
0x1b: {  	[tilespmem:s30+$0x210] =	vst v0  }
.Ltmp0:
0x1c: {  	[tilespmem:s30+$0x220] =	vst v0;
	(pc) =	sbr.rel @p1 .LBB2_2-.Ltmp0, $4  }
0x1d: {  	[tilespmem:s30+$0x230] =	vst v0  }
0x1e: {  	[tilespmem:s30+$0x240] =	vst v0  }
0x1f: {  	[tilespmem:s30+$0x250] =	vst v0  }
0x20: {  	[tilespmem:s30+$0x260] =	vst v0;
	s30 =	sshra.s32 s31, $0x2;
	s31 =	sadd.s32 $0x200, s31  }
0x21: {  	[tilespmem:s30+$0x270] =	vst v0  }
0x22: {  	[tilespmem:s30+$0x200] =	vst v0  }
0x23: {  	[tilespmem:s30+$0x210] =	vst v0  }
0x24: {  	[tilespmem:s30+$0x220] =	vst v0  }
0x25: {  	[tilespmem:s30+$0x230] =	vst v0  }
0x26: {  	[tilespmem:s30+$0x240] =	vst v0  }
0x27: {  	[tilespmem:s30+$0x250] =	vst v0  }
0x28: {  	[tilespmem:s30+$0x260] =	vst v0  }
0x29: {  	[spmem:s5] =	stream.linear.scatter [tilespmem:s19], [sflag:$0x3], $0x4000, $0x38;
	[tilespmem:$0x17E00] =	vst v63  }
0x2a: {  	_ =	swait.ge [sflag:s20], $0x4000  }
0x2b: {  	[sflag:s20] =	ssyncset.done $0x0  }
0x2c: {  	[sflag:s20] =	ssyncadd.s32 $0xFFFFC000  }
0x2d: {  	[spmem:s6] =	stream.linear.scatter [tilespmem:s19], [sflag:$0x3], $0x4000, $0x38;
	[tilespmem:$0x17E00] =	vst v63  }
0x2e: {  	_ =	swait.ge [sflag:s20], $0x4000  }
0x2f: {  	[sflag:s20] =	ssyncset.done $0x0  }
0x30: {  	[sflag:s20] =	ssyncadd.s32 $0xFFFFC000  }
0x31: {  	[spmem:s7] =	stream.linear.scatter [tilespmem:s19], [sflag:$0x3], $0x4000, $0x38;
	[tilespmem:$0x17E00] =	vst v63  }
0x32: {  	_ =	swait.ge [sflag:s20], $0x4000  }
0x33: {  	[sflag:s20] =	ssyncset.done $0x0  }
0x34: {  	[sflag:s20] =	ssyncadd.s32 $0xFFFFC000  }
0x35: {  	[spmem:s8] =	stream.linear.scatter [tilespmem:s19], [sflag:$0x3], $0x4000, $0x38;
	[tilespmem:$0x17E00] =	vst v63  }
0x36: {  	_ =	swait.ge [sflag:s20], $0x4000  }
0x37: {  	[sflag:s20] =	ssyncset.done $0x0  }
0x38: {  	[sflag:s20] =	ssyncadd.s32 $0xFFFFC000  }
0x39: {  	[spmem:s9] =	stream.linear.scatter [tilespmem:s19], [sflag:$0x3], $0x3C00, $0x38;
	[tilespmem:$0x17E00] =	vst v63  }
0x3a: {  	_ =	swait.ge [sflag:s20], $0x3C00  }
0x3b: {  	[sflag:s20] =	ssyncset.done $0x0  }
0x3c: {  	[sflag:s20] =	ssyncadd.s32 $0xFFFFC400  }
0x3d: {  	s30 =	simm.s32 $0x0;
	[bflag:$0x0] =	sbarrier.arrive $0xFFFF  }
0x3e: {  	[tilespmem:s30], [sflag:$0x3] =	stream.linear.gather [hbm4b:s10+s30], $0x80, $0x38;
	[tilespmem:$0x17E00] =	vst v63  }
0x3f: {  	_ =	swait.ge [sflag:s20], $0x80  }
0x40: {  	[sflag:s20] =	ssyncset.done $0x0  }
0x41: {  	[sflag:s20] =	ssyncadd.s32 $0xFFFFFF80  }
0x42: {  	[tilespmem:s21], [sflag:$0x3] =	stream.linear.gather [hbm4b:s11+s30], $0x80, $0x38;
	[tilespmem:$0x17E00] =	vst v63  }
0x43: {  	_ =	swait.ge [sflag:s20], $0x80  }
0x44: {  	[sflag:s20] =	ssyncset.done $0x0  }
0x45: {  	[sflag:s20] =	ssyncadd.s32 $0xFFFFFF80  }
0x46: {  	[tilespmem:s19], [sflag:$0x1] =	stream.indirect.gather [hbm4b:s1+s21], $0x80, s3, s21, $0xb8;
	[tilespmem:$0x17E00] =	vst v63  }
0x47: {  	s30 =	sadd.s32 $0x0, s18  }
0x48: {  	[tilespmem:s22], [sflag:$0x3] =	stream.linear.gather [hbm4b:s30+s3], $0x80, $0x38;
	[tilespmem:$0x17E00] =	vst v63  }
0x49: {  	_ =	swait.ge [sflag:s20], $0x80  }
0x4a: {  	[sflag:s20] =	ssyncset.done $0x0  }
0x4b: {  	s30 =	sadd.s32 $0x0, s17;
	[sflag:s20] =	ssyncadd.s32 $0xFFFFFF80  }
0x4c: {  	[tilespmem:s23], [sflag:$0x3] =	stream.linear.gather [hbm4b:s30+s3], $0x80, $0x38;
	[tilespmem:$0x17E00] =	vst v63  }
0x4d: {  	_ =	swait.ge [sflag:s20], $0x80  }
0x4e: {  	[sflag:s20] =	ssyncset.done $0x0  }
0x4f: {  	[sflag:s20] =	ssyncadd.s32 $0xFFFFFF80  }
0x50: {  	_ =	swait.ge [sflag:s26], $0x4000  }
0x51: {  	[sflag:s26] =	ssyncset.done $0x0  }
0x52: {  	[sflag:s26] =	ssyncadd.s32 $0xFFFFC000  }
0x53: {  	[spmem:s2] =	stream.indirect.scatter.add.f32 [tilespmem:s19], [sflag:$0x2], $0x80, s21, s21, $0xb8;
	[tilespmem:$0x17E00] =	vst v63  }
0x54: {  	_ =	swait.ge [sflag:s28], $0x4000  }
0x55: {  	[sflag:s28] =	ssyncset.done $0x0  }
0x56: {  	[sflag:s28] =	ssyncadd.s32 $0xFFFFC000  }
0x57: {  	[tilespmem:s19], [sflag:$0x1] =	stream.indirect.gather [hbm4b:s1+s21], $0x80, s22, s21, $0xb8;
	[tilespmem:$0x17E00] =	vst v63  }
0x58: {  	s30 =	sadd.s32 $0x0, s16  }
0x59: {  	[tilespmem:s3], [sflag:$0x3] =	stream.linear.gather [hbm4b:s30+s3], $0x80, $0x38;
	[tilespmem:$0x17E00] =	vst v63  }
0x5a: {  	_ =	swait.ge [sflag:s20], $0x80  }
0x5b: {  	[sflag:s20] =	ssyncset.done $0x0  }
0x5c: {  	s30 =	sadd.s32 $0x0, s15;
	[sflag:s20] =	ssyncadd.s32 $0xFFFFFF80  }
0x5d: {  	[tilespmem:s21], [sflag:$0x3] =	stream.linear.gather [hbm4b:s30+s3], $0x80, $0x38;
	[tilespmem:$0x17E00] =	vst v63  }
0x5e: {  	_ =	swait.ge [sflag:s20], $0x80  }
0x5f: {  	[sflag:s20] =	ssyncset.done $0x0  }
0x60: {  	[sflag:s20] =	ssyncadd.s32 $0xFFFFFF80  }
0x61: {  	_ =	swait.ge [sflag:s26], $0x4000  }
0x62: {  	[sflag:s26] =	ssyncset.done $0x0  }
0x63: {  	[sflag:s26] =	ssyncadd.s32 $0xFFFFC000  }
0x64: {  	[spmem:s2] =	stream.indirect.scatter.add.f32 [tilespmem:s19], [sflag:$0x2], $0x80, s23, s21, $0xb8;
	[tilespmem:$0x17E00] =	vst v63  }
0x65: {  	_ =	swait.ge [sflag:s28], $0x4000  }
0x66: {  	s30 =	simm.s32 $0x20;
	[sflag:s28] =	ssyncset.done $0x0  }
.LBB2_4:
0x67: {  	p1 =	sne.s32 s30, $0x4E0  }
0x68: {  	[sflag:s28] =	ssyncadd.s32 $0xFFFFC000;
	s31 =	smov.u32 s30;
	s30 =	sadd.s32 $0x20, s30  }
0x69: {  	[tilespmem:s19], [sflag:$0x1] =	stream.indirect.gather [hbm4b:s1+s21], $0x80, s3, s21, $0xb8;
	[tilespmem:$0x17E00] =	vst v63  }
0x6a: {  	s0 =	sadd.s32 s31, s18  }
0x6b: {  	[tilespmem:s22], [sflag:$0x3] =	stream.linear.gather [hbm4b:s0+s3], $0x80, $0x38;
	[tilespmem:$0x17E00] =	vst v63  }
0x6c: {  	_ =	swait.ge [sflag:s20], $0x80  }
0x6d: {  	[sflag:s20] =	ssyncset.done $0x0  }
0x6e: {  	s0 =	sadd.s32 s31, s17;
	[sflag:s20] =	ssyncadd.s32 $0xFFFFFF80  }
0x6f: {  	[tilespmem:s23], [sflag:$0x3] =	stream.linear.gather [hbm4b:s0+s3], $0x80, $0x38;
	[tilespmem:$0x17E00] =	vst v63  }
0x70: {  	_ =	swait.ge [sflag:s20], $0x80  }
0x71: {  	[sflag:s20] =	ssyncset.done $0x0  }
0x72: {  	[sflag:s20] =	ssyncadd.s32 $0xFFFFFF80  }
0x73: {  	_ =	swait.ge [sflag:s26], $0x4000  }
0x74: {  	[sflag:s26] =	ssyncset.done $0x0  }
0x75: {  	[sflag:s26] =	ssyncadd.s32 $0xFFFFC000  }
0x76: {  	[spmem:s2] =	stream.indirect.scatter.add.f32 [tilespmem:s19], [sflag:$0x2], $0x80, s21, s21, $0xb8;
	[tilespmem:$0x17E00] =	vst v63  }
0x77: {  	_ =	swait.ge [sflag:s28], $0x4000  }
0x78: {  	[sflag:s28] =	ssyncset.done $0x0  }
0x79: {  	[sflag:s28] =	ssyncadd.s32 $0xFFFFC000  }
0x7a: {  	[tilespmem:s19], [sflag:$0x1] =	stream.indirect.gather [hbm4b:s1+s21], $0x80, s22, s21, $0xb8;
	[tilespmem:$0x17E00] =	vst v63  }
0x7b: {  	s0 =	sadd.s32 s31, s16  }
0x7c: {  	[tilespmem:s3], [sflag:$0x3] =	stream.linear.gather [hbm4b:s0+s3], $0x80, $0x38;
	[tilespmem:$0x17E00] =	vst v63  }
0x7d: {  	_ =	swait.ge [sflag:s20], $0x80  }
0x7e: {  	[sflag:s20] =	ssyncset.done $0x0  }
0x7f: {  	s0 =	sadd.s32 s31, s15;
	[sflag:s20] =	ssyncadd.s32 $0xFFFFFF80  }
0x80: {  	[tilespmem:s21], [sflag:$0x3] =	stream.linear.gather [hbm4b:s0+s3], $0x80, $0x38;
	[tilespmem:$0x17E00] =	vst v63  }
0x81: {  	_ =	swait.ge [sflag:s20], $0x80  }
0x82: {  	[sflag:s20] =	ssyncset.done $0x0  }
0x83: {  	[sflag:s20] =	ssyncadd.s32 $0xFFFFFF80  }
0x84: {  	_ =	swait.ge [sflag:s26], $0x4000  }
.Ltmp1:
0x85: {  	[sflag:s26] =	ssyncset.done $0x0;
	(pc) =	sbr.rel @p1 .LBB2_4-.Ltmp1, $4  }
0x86: {  	[sflag:s26] =	ssyncadd.s32 $0xFFFFC000  }
0x87: {  	[spmem:s2] =	stream.indirect.scatter.add.f32 [tilespmem:s19], [sflag:$0x2], $0x80, s23, s21, $0xb8;
	[tilespmem:$0x17E00] =	vst v63  }
0x88: {  	_ =	swait.ge [sflag:s28], $0x4000  }
0x89: {  	[sflag:s28] =	ssyncset.done $0x0  }
0x8a: {  	[sflag:s28] =	ssyncadd.s32 $0xFFFFC000;
	s0 =	sshll.u32 s4, $0x6  }
0x8b: {  	[bflag:$0x0] =	sbarrier.arrive $0xFFFF;
	s0 =	sor.u32 $0x1C03, s0  }
0x8c: {  	[hbm:s12], [sflag:s0] =	dma.local [spmem:s24], $0x2700  }
0x8d: {  	_ =	swait.ge [sflag:s20], $0x2700  }
0x8e: {  	s29 =	sadd.s32 $0x1, s29;
	[sflag:s20] =	ssyncset.done $0x0  }
0x8f: {  	p1 =	sne.s32 s29, s14;
	[sflag:s20] =	ssyncadd.s32 $0xFFFFD900  }
0x90: {  	[hbm:s13], [sflag:s0] =	dma.local @!p0 [spmem:s25], $0x100  }
.Ltmp2:
0x91: {  	_ = 	snop;
	(pc) =	sbr.rel @p1 .LBB2_1-.Ltmp2, $4  }
0x92: {  	s0 =	simm.s32 @!p0 $0x3  }
0x93: {  	_ =	swait.ge @!p0 [sflag:s0], $0x100  }
0x94: {  	[sflag:s0] =	ssyncset.done @!p0 $0x0  }
0x95: {  	[sflag:s0] =	ssyncadd.s32 @!p0 $0xFFFFFF00  }
0x96: {  	_ =	sfence.sel $0x180000  }
0x97: {  	[bflag:$0x0] =	sbarrier.arrive $0xFFFF  }
0x98: {  	_ =	strace $0x9000004D  }
0x99: {  	[bflag:$0x2] =	sbarrier.arrive $0xFFFF  }
0x9a: {  	p0 =	sne.s32 s4, $0x0;
	s0 =	rddreg [dreg:$0x3]  }
0x9b: {  	s0 =	sadd.s32 @!p0 $0x100000, s0  }
0x9c: {  	[sflag:s0] =	ssyncadd.tile.s32 @!p0 $0x1;
	_ =	shalt  }
.Lfunc_end2:
_tile_overlayer_lowered:
.L_overlay_start_2:
0x9d: {  	(tag) =	ssettag $0x2  }
0x9e: {  	s0 =	rddreg [dreg:$0x0];
	s2 =	stileid.u32  }
0x9f: {  	s1 =	rddreg [dreg:$0x1];
	p0 =	sne.s32 s2, $0x0  }
0xa0: {  	s3 =	rddreg [dreg:$0x2];
	[bflag:$0x3] =	sbarrier.arrive $0xFFFF;
	s2 =	simm.s32 @!p0 $0x1C03  }
0xa1: {  	[timem:s3], [sflag:s2] =	dma.local @!p0 [hbm:s0], s1  }
0xa2: {  	s0 =	simm.s32 @!p0 $0x3  }
0xa3: {  	_ =	swait.ge @!p0 [sflag:s0], s1  }
0xa4: {  	s1 =	ssub.s32 @!p0 $0x0, s1;
	[sflag:s0] =	ssyncset.done @!p0 $0x0  }
0xa5: {  	[sflag:s0] =	ssyncadd.s32 @!p0 s1  }
0xa6: {  	[bflag:$0x3] =	sbarrier.arrive $0xFFFF  }
0xa7: {  	_ =	shalt  }

// kernel: kernel.9.cloned.1.call-start
scs
__scs_entry_jumppad:
0x0: {  	(pc) =	sbr.rel $0x88, $3  }
0x1: {  	(tag) =	ssettag $0x0;
	lr =	simm.s32 $0x1  }
0x2: {  	[smem:$0x3F8E] =	sst lr;
	_ =	strace $0xD0000000  }
0x3: {  	_ = 	snop  }
0x4: {  	_ = 	snop  }
0x5: {  	_ = 	snop  }
0x6: {  	_ = 	snop  }
0x7: {  	_ = 	snop  }
__scs_overlays_trampoline_lowered:
0x8: {  	[smem:$0x3F9D] =	sst s0  }
0x9: {  	[smem:$0x3F9E] =	sst s1  }
0xa: {  	[smem:$0x3F9F] =	sst s2  }
0xb: {  	[smem:$0x3FA0] =	sst s3  }
0xc: {  	[smem:$0x3FA1] =	sst s4  }
0xd: {  	[smem:$0x3FA2] =	sst s5  }
0xe: {  	[smem:$0x3FA3] =	sst s6  }
0xf: {  	[smem:$0x3FA4] =	sst s7  }
0x10: {  	[smem:$0x3FA5] =	sst s8  }
0x11: {  	[smem:$0x3FA6] =	sst s9;
	s0 =	simm.s32 @!p0 $0x0  }
0x12: {  	s1 =	sld [smem:$0x3F8C];
	s0 =	simm.s32 @p0 $0x1  }
0x13: {  	[smem:$0x3FA7] =	sst s0;
	s0 =	simm.s32 @!p1 $0x0  }
0x14: {  	s2 =	sld [smem:$0x3F8B];
	s0 =	simm.s32 @p1 $0x1  }
0x15: {  	[smem:$0x3FA8] =	sst s0;
	s0 =	simm.s32 @!p2 $0x0  }
0x16: {  	s3 =	sld [smem:$0x3FDB];
	s0 =	simm.s32 @p2 $0x1  }
0x17: {  	s4 =	simm.s32 $0x1BF5;
	[smem:$0x3FAA] =	sst s0  }
0x18: {  	s0 =	sld [smem:$0x3F8D];
	_ =	swait.ge [sflag:s4], $0x0  }
0x19: {  	s7 =	sld [smem:$0x3F8E]  }
0x1a: {  	s8 =	sadd.s32 $0xFFFFE003, lr  }
0x1b: {  	s9 =	sadd.s32 $0xFFFFFEF7, lr;
	s5 =	simm.s32 $0xFFFFFFFF;
	p2 =	slt.u32 s8, $0xFFFFF086  }
0x1c: {  	p1 =	slt.u32 s9, $0xF7A;
	s5 =	simm.s32 @!p2 $0x0  }
0x1d: {  	s5 =	simm.s32 @p1 $0x1;
	p0 =	seq.s32 s7, s2  }
0x1e: {  	s7 =	smul.u32 @!p0 $0xF7A, s2;
	p2 =	seq.s32 @!p0 s5, $0x0  }
0x1f: {  	s9 =	smul.u32 $0xF7A, s1;
	s8 =	simm.s32 @!p0 $0x1BF5;
	p2 =	por !p2, p0  }
0x20: {  	[sflag:s8] =	ssyncset.s32 @!p0 $0xFFFFF086;
	s6 =	sadd.s32 @!p0 s3, s7;
	s7 =	simm.s32 @!p0 $0x108  }
0x21: {  	s3 =	sadd.s32 s3, s9;
	s6 =	sadd.s32 @!p0 $0x88, s6;
	s7 =	simm.s32 @p2 $0x1082  }
0x22: {  	[simem:s7], [sflag:s8] =	dma.local @!p0 [hbm:s6], $0xF7A  }
0x23: {  	s9 =	sor.u32 $0xD0000000, s2;
	s6 =	simm.s32 $0x108;
	_ =	swait.ge @!p0 [sflag:s8], $0x0  }
0x24: {  	s3 =	sadd.s32 $0x88, s3;
	s6 =	simm.s32 @!p1 $0x1082;
	[sflag:s4] =	ssyncset.s32 $0xFFFFF086  }
0x25: {  	[simem:s6], [sflag:s4] =	dma.local [hbm:s3], $0xF7A  }
0x26: {  	[smem:$0x3F8E] =	sst s1;
	(tag) =	ssettag s2;
	_ =	strace s9  }
0x27: {  	s1 =	sld [smem:$0x3F9E]  }
0x28: {  	s2 =	sld [smem:$0x3F9F]  }
0x29: {  	s4 =	sld [smem:$0x3FA1]  }
0x2a: {  	p0 =	seq.s32 s5, $0x0;
	s5 =	sld [smem:$0x3FA2]  }
0x2b: {  	s6 =	sld [smem:$0x3FA3]  }
0x2c: {  	s7 =	sld [smem:$0x3FA4]  }
0x2d: {  	s3 =	simm.s32 $0x108;
	s8 =	sld [smem:$0x3FA5]  }
0x2e: {  	s3 =	simm.s32 @!p0 $0x1082;
	s9 =	sld [smem:$0x3FA6]  }
0x2f: {  	lr =	sadd.s32 s0, s3;
	s0 =	sld [smem:$0x3F9D]  }
0x30: {  	s3 =	sld [smem:$0x3FA0]  }
0x31: {  	[smem:$0x3FA9] =	sst s10  }
0x32: {  	s10 =	sld [smem:$0x3FA7];
	_ =	sdelay $0x3  }
0x33: {  	p0 =	seq.s32 s10, $0x1;
	s10 =	sld [smem:$0x3FA9];
	_ =	sdelay $0x3  }
0x34: {  	[smem:$0x3FA9] =	sst s10  }
0x35: {  	s10 =	sld [smem:$0x3FA8];
	_ =	sdelay $0x3  }
0x36: {  	p1 =	seq.s32 s10, $0x1;
	s10 =	sld [smem:$0x3FA9];
	_ =	sdelay $0x3  }
0x37: {  	[smem:$0x3FA9] =	sst s10  }
0x38: {  	s10 =	sld [smem:$0x3FAA]  }
0x39: {  	_ = 	snop;
	(pc) =	sbr.ind lr, $3  }
0x3a: {  	_ = 	snop  }
0x3b: {  	_ = 	snop  }
0x3c: {  	p2 =	seq.s32 s10, $0x1;
	s10 =	sld [smem:$0x3FA9]  }
0x3d: {  	_ =	shalt  }
0x3e: {  	_ =	shalt  }
0x3f: {  	_ =	shalt  }
0x40: {  	_ =	shalt  }
0x41: {  	_ =	shalt  }
0x42: {  	_ =	shalt  }
0x43: {  	_ =	shalt  }
0x44: {  	_ =	shalt  }
0x45: {  	_ =	shalt  }
0x46: {  	_ =	shalt  }
0x47: {  	_ =	shalt  }
0x48: {  	_ =	shalt  }
0x49: {  	_ =	shalt  }
0x4a: {  	_ =	shalt  }
0x4b: {  	_ =	shalt  }
0x4c: {  	_ =	shalt  }
0x4d: {  	_ =	shalt  }
0x4e: {  	_ =	shalt  }
0x4f: {  	_ =	shalt  }
0x50: {  	_ =	shalt  }
0x51: {  	_ =	shalt  }
0x52: {  	_ =	shalt  }
0x53: {  	_ =	shalt  }
0x54: {  	_ =	shalt  }
0x55: {  	_ =	shalt  }
0x56: {  	_ =	shalt  }
0x57: {  	_ =	shalt  }
0x58: {  	_ =	shalt  }
0x59: {  	_ =	shalt  }
0x5a: {  	_ =	shalt  }
0x5b: {  	_ =	shalt  }
0x5c: {  	_ =	shalt  }
0x5d: {  	_ =	shalt  }
0x5e: {  	_ =	shalt  }
0x5f: {  	_ =	shalt  }
0x60: {  	_ =	shalt  }
0x61: {  	_ =	shalt  }
0x62: {  	_ =	shalt  }
0x63: {  	_ =	shalt  }
0x64: {  	_ =	shalt  }
0x65: {  	_ =	shalt  }
0x66: {  	_ =	shalt  }
0x67: {  	_ =	shalt  }
0x68: {  	_ =	shalt  }
0x69: {  	_ =	shalt  }
0x6a: {  	_ =	shalt  }
0x6b: {  	_ =	shalt  }
0x6c: {  	_ =	shalt  }
0x6d: {  	_ =	shalt  }
0x6e: {  	_ =	shalt  }
0x6f: {  	_ =	shalt  }
0x70: {  	_ =	shalt  }
0x71: {  	_ =	shalt  }
0x72: {  	_ =	shalt  }
0x73: {  	_ =	shalt  }
0x74: {  	_ =	shalt  }
0x75: {  	_ =	shalt  }
0x76: {  	_ =	shalt  }
0x77: {  	_ =	shalt  }
0x78: {  	_ =	shalt  }
0x79: {  	_ =	shalt  }
0x7a: {  	_ =	shalt  }
0x7b: {  	_ =	shalt  }
0x7c: {  	_ =	shalt  }
0x7d: {  	_ =	shalt  }
0x7e: {  	_ =	shalt  }
0x7f: {  	_ =	shalt  }
0x80: {  	_ =	shalt  }
0x81: {  	_ =	shalt  }
0x82: {  	_ =	shalt  }
0x83: {  	_ =	shalt  }
0x84: {  	_ =	shalt  }
0x85: {  	_ =	shalt  }
0x86: {  	_ =	shalt  }
0x87: {  	_ =	shalt  }
.Lfunc_end0:
.L_simem_size_0:
called_computation_lowered:
.L_overlay_start_0:
0x88: {  	s2 =	sld [smem:$0x3FD9]  }
0x89: {  	s3 =	sld [smem:$0x3FFE];
	_ =	sdelay $0x1  }
0x8a: {  	s1 =	srdreg.scid  }
0x8b: {  	s0 =	sand.u32 $0x1, s1  }
0x8c: {  	s17 =	sshll.u32 s0, $0xA;
	s2 =	sadd.s32 s3, s2  }
0x8d: {  	s2 =	sadd.s32 s2, s17  }
0x8e: {  	[smem:$0x3FB5] =	sst s2  }
0x8f: {  	_ = 	snop  }
0x90: {  	s2 =	sld [smem:$0x3FD0];
	(tm) =	ssettm $0x1  }
0x91: {  	s18 =	sld [smem:$0x3FFB];
	_ =	sdelay $0x3  }
0x92: {  	_ =	strace s18  }
0x93: {  	s3 =	sld [smem:$0x3FFC];
	_ =	sdelay $0x3  }
0x94: {  	_ =	strace s3  }
0x95: {  	s3 =	sld [smem:$0x3FFD];
	_ =	sdelay $0x3  }
0x96: {  	_ =	strace s3  }
0x97: {  	_ =	strace $0x8FFFFFFF  }
0x98: {  	s19 =	sld [smem:$0x3FDB];
	_ =	sdelay $0x1  }
0x99: {  	s4 =	simm.s32 $_scs_section_size  }
0x9a: {  	s5 =	simm.s32 $_size__tile_overlayer_lowered;
	s6 =	simm.s32 $_tile_overlayer_lowered  }
0x9b: {  	s22 =	simm.s32 $0x1BFF;
	s21 =	sshll.u32 s6, $0x1;
	s3 =	sadd.s32 s4, s19  }
0x9c: {  	s7 =	simm.s32 $0x0;
	s20 =	sshll.u32 s5, $0x1;
	s5 =	sadd.s32 s21, s3  }
0x9d: {  	[timem:s7], [sflag:s22] =	dma.local [hbm:s5], s20  }
0x9e: {  	_ =	swait.ge [sflag:s22], s20  }
0x9f: {  	s4 =	ssub.s32 $0x0, s20;
	[sflag:s22] =	ssyncset.done $0x0  }
0xa0: {  	[sflag:s22] =	ssyncadd.s32 s4;
	_ =	sdelay $0x1  }
0xa1: {  	s23 =	simm.s32 $0x1B8B  }
0xa2: {  	_ =	swait.ge [sflag:s23], $0x1  }
0xa3: {  	[sflag:s23] =	ssyncset.done $0x0  }
0xa4: {  	s25 =	simm.s32 $0x1B8E;
	s24 =	sld [smem:$0x3FFE];
	[sflag:s23] =	ssyncadd.s32 $0xFFFFFFFF  }
0xa5: {  	s26 =	simm.s32 $execute0_lowered;
	[smem:$0x3FD2] =	sst s25  }
0xa6: {  	s5 =	sshll.u32 s26, $0x1;
	_ =	strace $0x80000046;
	[dreg:$0x1] =	wrdreg $0xFFFFFFFF  }
0xa7: {  	s28 =	simm.s32 $_size_execute0_lowered;
	s3 =	sadd.s32 s3, s5;
	[dreg:$0x0] =	wrdreg $0x0  }
0xa8: {  	s5 =	sshll.u32 s28, $0x1;
	[dreg:$0x2] =	wrdreg s3  }
0xa9: {  	[dreg:$0x3] =	wrdreg s5  }
0xaa: {  	[dreg:$0x4] =	wrdreg $0xC0  }
0xab: {  	_ =	task [dreg:s7], $0x5FFFF  }
0xac: {  	[dreg:$0x1] =	wrdreg $0xFFFFFFFF  }
0xad: {  	[dreg:$0x0] =	wrdreg $0x60  }
0xae: {  	[dreg:$0x2] =	wrdreg s24  }
0xaf: {  	[dreg:$0x3] =	wrdreg s2  }
0xb0: {  	[dreg:$0x4] =	wrdreg $0x42000  }
0xb1: {  	[dreg:$0x5] =	wrdreg $0x9  }
0xb2: {  	_ =	task.clear_ibuf [dreg:s7], $0x6FFFF;
	_ =	strace $0x90000046  }
0xb3: {  	s29 =	simm.s32 $0x9;
	_ =	strace $0x80000048  }
0xb4: {  	_ =	swait.ge [sflag:s29], $0x1  }
0xb5: {  	[sflag:s29] =	ssyncadd.s32 $0xFFFFFFFF  }
0xb6: {  	_ =	strace $0x90000048  }
0xb7: {  	_ =	sfence  }
0xb8: {  	s30 =	sld [smem:$0x0];
	_ =	sdelay $0x2  }
0xb9: {  	s31 =	sshll.u32 s1, $0xD;
	s1 =	sshrl.u32 s1, $0x2  }
0xba: {  	s3 =	sand.u32 $0x4000, s31;
	s1 =	sadd.s32 s1, s30  }
0xbb: {  	s0 =	sor.u32 s3, s0;
	s1 =	sshll.u32 s1, $0x11  }
0xbc: {  	s0 =	sor.u32 s1, s0  }
0xbd: {  	s0 =	sadd.s32 $0x8F2B, s0  }
0xbe: {  	[sflag:s0] =	ssyncadd.remote.s32 $0x1  }
0xbf: {  	_ =	sfence.sel $0xFFFF  }
0xc0: {  	[dreg:$0x0] =	wrdreg $0xFFFFFFFF;
	(pc) =	sbr.abs _section_cstart, $3  }
0xc1: {  	[dreg:$0x1] =	wrdreg $0xFFFFFFFF  }
0xc2: {  	_ =	task.clear_ibuf [dreg:s7], $0x2FFFF;
	_ =	strace $0x9FFFFFFF  }
0xc3: {  	(tm) =	ssettm $0x7FFFFFFF  }
tec
execute0_lowered:
.L_overlay_start_1:
0x0: {  	(tag) =	ssettag $0x1  }
0x1: {  	s5 =	rddreg [dreg:$0x0]  }
0x2: {  	s1 =	rddreg [dreg:$0x1]  }
0x3: {  	s2 =	rddreg [dreg:$0x2]  }
0x4: {  	s3 =	simm.s32 $0x0;
	s6 =	srdreg.scid;
	s4 =	stileid.u32  }
0x5: {  	s21 =	simm.s32 $0x80;
	s22 =	simm.s32 $0x100;
	s28 =	simm.s32 $0x2  }
0x6: {  	s29 =	simm.s32 $0x0;
	[smem:$0x7FF] =	sst s3;
	s23 =	smul.u32 $0x4F000, s4  }
0x7: {  	s18 =	sadd.s32 $0xEC00, s5;
	s17 =	sadd.s32 $0x4A00, s5;
	s16 =	smul.u32 $0x13800, s4  }
0x8: {  	s12 =	sand.u32 $0x1, s6;
	s13 =	sadd.s32 $0x18E00, s5;
	s19 =	smul.u32 $0x4E000, s4  }
0x9: {  	s26 =	smul.u32 $0x2800, s4;
	p0 =	sne.s32 s4, $0xF;
	_ =	strace $0x80000047  }
0xa: {  	s24 =	ssub.s32 $0x2, s12;
	s7 =	sshll.u32 s12, $0x4;
	s15 =	smul.u32 $0x138800, s12  }
0xb: {  	s20 =	smul.u32 $0x28000, s12;
	s8 =	sshrl.u32 s24, $0x1;
	s7 =	sor.u32 s4, s7  }
0xc: {  	s6 =	sshrl.u32 s23, $0x2;
	s19 =	sshrl.u32 s19, $0x2;
	s23 =	simm.s32 $0x180  }
0xd: {  	s14 =	ssub.s32 s24, s8;
	s5 =	sadd.s32 s6, s2;
	s9 =	smul.u32 $0x2800, s7  }
0xe: {  	s16 =	sadd.s32 s16, s15;
	s15 =	sshrl.u32 s15, $0x3;
	s24 =	sadd.s32 s19, s2  }
0xf: {  	s30 =	sadd.s32 s26, s20;
	s19 =	simm.s32 $0x200;
	s20 =	simm.s32 $0x3  }
0x10: {  	s26 =	simm.s32 $0x1;
	s6 =	sadd.s32 $0x4000, s5;
	s7 =	sadd.s32 $0x8000, s5  }
0x11: {  	s8 =	sadd.s32 $0xC000, s5;
	s25 =	sshrl.u32 s16, $0x3;
	s16 =	sor.u32 $0x100, s30  }
0x12: {  	s14 =	smax.u32 s14, $0x1;
	s24 =	sshrl.u32 s24, $0x3;
	s11 =	sshrl.u32 s9, $0x3  }
0x13: {  	s9 =	sadd.s32 $0x10000, s5;
	s12 =	sadd.s32 s13, s25;
	s13 =	sadd.s32 s13, s15  }
0x14: {  	s25 =	sadd.s32 $0x138000, s2;
	s15 =	sor.u32 $0x80, s30;
	s16 =	sshrl.u32 s16, $0x3  }
0x15: {  	s10 =	sadd.s32 s18, s11;
	s11 =	sadd.s32 s17, s11;
	s13 =	sadd.s32 $0x27000, s13  }
0x16: {  	s31 =	sshrl.u32 s15, $0x3;
	s15 =	sadd.s32 s16, s17;
	s16 =	sadd.s32 s16, s18  }
0x17: {  	v0 =	vimm.f32 $0.0e+00;
	s25 =	sshrl.u32 @!p0 s25, $0x3;
	s17 =	sadd.s32 s31, s17;
	s18 =	sadd.s32 s31, s18  }
.LBB2_1:
0x18: {  	s30 =	simm.s32 $0x0;
	s31 =	simm.s32 $0x200  }
.LBB2_2:
0x19: {  	p1 =	sne.s32 s31, $0xFE00;
	[tilespmem:s30+$0x270] =	vst v0  }
0x1a: {  	[tilespmem:s30+$0x200] =	vst v0  }
0x1b: {  	[tilespmem:s30+$0x210] =	vst v0  }
.Ltmp0:
0x1c: {  	[tilespmem:s30+$0x220] =	vst v0;
	(pc) =	sbr.rel @p1 .LBB2_2-.Ltmp0, $4  }
0x1d: {  	[tilespmem:s30+$0x230] =	vst v0  }
0x1e: {  	[tilespmem:s30+$0x240] =	vst v0  }
0x1f: {  	[tilespmem:s30+$0x250] =	vst v0  }
0x20: {  	[tilespmem:s30+$0x260] =	vst v0;
	s30 =	sshra.s32 s31, $0x2;
	s31 =	sadd.s32 $0x200, s31  }
0x21: {  	[tilespmem:s30+$0x270] =	vst v0  }
0x22: {  	[tilespmem:s30+$0x200] =	vst v0  }
0x23: {  	[tilespmem:s30+$0x210] =	vst v0  }
0x24: {  	[tilespmem:s30+$0x220] =	vst v0  }
0x25: {  	[tilespmem:s30+$0x230] =	vst v0  }
0x26: {  	[tilespmem:s30+$0x240] =	vst v0  }
0x27: {  	[tilespmem:s30+$0x250] =	vst v0  }
0x28: {  	[tilespmem:s30+$0x260] =	vst v0  }
0x29: {  	[spmem:s5] =	stream.linear.scatter [tilespmem:s19], [sflag:$0x3], $0x4000, $0x38;
	[tilespmem:$0x17E00] =	vst v63  }
0x2a: {  	_ =	swait.ge [sflag:s20], $0x4000  }
0x2b: {  	[sflag:s20] =	ssyncset.done $0x0  }
0x2c: {  	[sflag:s20] =	ssyncadd.s32 $0xFFFFC000  }
0x2d: {  	[spmem:s6] =	stream.linear.scatter [tilespmem:s19], [sflag:$0x3], $0x4000, $0x38;
	[tilespmem:$0x17E00] =	vst v63  }
0x2e: {  	_ =	swait.ge [sflag:s20], $0x4000  }
0x2f: {  	[sflag:s20] =	ssyncset.done $0x0  }
0x30: {  	[sflag:s20] =	ssyncadd.s32 $0xFFFFC000  }
0x31: {  	[spmem:s7] =	stream.linear.scatter [tilespmem:s19], [sflag:$0x3], $0x4000, $0x38;
	[tilespmem:$0x17E00] =	vst v63  }
0x32: {  	_ =	swait.ge [sflag:s20], $0x4000  }
0x33: {  	[sflag:s20] =	ssyncset.done $0x0  }
0x34: {  	[sflag:s20] =	ssyncadd.s32 $0xFFFFC000  }
0x35: {  	[spmem:s8] =	stream.linear.scatter [tilespmem:s19], [sflag:$0x3], $0x4000, $0x38;
	[tilespmem:$0x17E00] =	vst v63  }
0x36: {  	_ =	swait.ge [sflag:s20], $0x4000  }
0x37: {  	[sflag:s20] =	ssyncset.done $0x0  }
0x38: {  	[sflag:s20] =	ssyncadd.s32 $0xFFFFC000  }
0x39: {  	[spmem:s9] =	stream.linear.scatter [tilespmem:s19], [sflag:$0x3], $0x3C00, $0x38;
	[tilespmem:$0x17E00] =	vst v63  }
0x3a: {  	_ =	swait.ge [sflag:s20], $0x3C00  }
0x3b: {  	[sflag:s20] =	ssyncset.done $0x0  }
0x3c: {  	[sflag:s20] =	ssyncadd.s32 $0xFFFFC400  }
0x3d: {  	s30 =	simm.s32 $0x0;
	[bflag:$0x0] =	sbarrier.arrive $0xFFFF  }
0x3e: {  	[tilespmem:s30], [sflag:$0x3] =	stream.linear.gather [hbm4b:s10+s30], $0x80, $0x38;
	[tilespmem:$0x17E00] =	vst v63  }
0x3f: {  	_ =	swait.ge [sflag:s20], $0x80  }
0x40: {  	[sflag:s20] =	ssyncset.done $0x0  }
0x41: {  	[sflag:s20] =	ssyncadd.s32 $0xFFFFFF80  }
0x42: {  	[tilespmem:s21], [sflag:$0x3] =	stream.linear.gather [hbm4b:s11+s30], $0x80, $0x38;
	[tilespmem:$0x17E00] =	vst v63  }
0x43: {  	_ =	swait.ge [sflag:s20], $0x80  }
0x44: {  	[sflag:s20] =	ssyncset.done $0x0  }
0x45: {  	[sflag:s20] =	ssyncadd.s32 $0xFFFFFF80  }
0x46: {  	[tilespmem:s19], [sflag:$0x1] =	stream.indirect.gather [hbm4b:s1+s21], $0x80, s3, s21, $0xb8;
	[tilespmem:$0x17E00] =	vst v63  }
0x47: {  	s30 =	sadd.s32 $0x0, s18  }
0x48: {  	[tilespmem:s22], [sflag:$0x3] =	stream.linear.gather [hbm4b:s30+s3], $0x80, $0x38;
	[tilespmem:$0x17E00] =	vst v63  }
0x49: {  	_ =	swait.ge [sflag:s20], $0x80  }
0x4a: {  	[sflag:s20] =	ssyncset.done $0x0  }
0x4b: {  	s30 =	sadd.s32 $0x0, s17;
	[sflag:s20] =	ssyncadd.s32 $0xFFFFFF80  }
0x4c: {  	[tilespmem:s23], [sflag:$0x3] =	stream.linear.gather [hbm4b:s30+s3], $0x80, $0x38;
	[tilespmem:$0x17E00] =	vst v63  }
0x4d: {  	_ =	swait.ge [sflag:s20], $0x80  }
0x4e: {  	[sflag:s20] =	ssyncset.done $0x0  }
0x4f: {  	[sflag:s20] =	ssyncadd.s32 $0xFFFFFF80  }
0x50: {  	_ =	swait.ge [sflag:s26], $0x4000  }
0x51: {  	[sflag:s26] =	ssyncset.done $0x0  }
0x52: {  	[sflag:s26] =	ssyncadd.s32 $0xFFFFC000  }
0x53: {  	[spmem:s2] =	stream.indirect.scatter.add.f32 [tilespmem:s19], [sflag:$0x2], $0x80, s21, s21, $0xb8;
	[tilespmem:$0x17E00] =	vst v63  }
0x54: {  	_ =	swait.ge [sflag:s28], $0x4000  }
0x55: {  	[sflag:s28] =	ssyncset.done $0x0  }
0x56: {  	[sflag:s28] =	ssyncadd.s32 $0xFFFFC000  }
0x57: {  	[tilespmem:s19], [sflag:$0x1] =	stream.indirect.gather [hbm4b:s1+s21], $0x80, s22, s21, $0xb8;
	[tilespmem:$0x17E00] =	vst v63  }
0x58: {  	s30 =	sadd.s32 $0x0, s16  }
0x59: {  	[tilespmem:s3], [sflag:$0x3] =	stream.linear.gather [hbm4b:s30+s3], $0x80, $0x38;
	[tilespmem:$0x17E00] =	vst v63  }
0x5a: {  	_ =	swait.ge [sflag:s20], $0x80  }
0x5b: {  	[sflag:s20] =	ssyncset.done $0x0  }
0x5c: {  	s30 =	sadd.s32 $0x0, s15;
	[sflag:s20] =	ssyncadd.s32 $0xFFFFFF80  }
0x5d: {  	[tilespmem:s21], [sflag:$0x3] =	stream.linear.gather [hbm4b:s30+s3], $0x80, $0x38;
	[tilespmem:$0x17E00] =	vst v63  }
0x5e: {  	_ =	swait.ge [sflag:s20], $0x80  }
0x5f: {  	[sflag:s20] =	ssyncset.done $0x0  }
0x60: {  	[sflag:s20] =	ssyncadd.s32 $0xFFFFFF80  }
0x61: {  	_ =	swait.ge [sflag:s26], $0x4000  }
0x62: {  	[sflag:s26] =	ssyncset.done $0x0  }
0x63: {  	[sflag:s26] =	ssyncadd.s32 $0xFFFFC000  }
0x64: {  	[spmem:s2] =	stream.indirect.scatter.add.f32 [tilespmem:s19], [sflag:$0x2], $0x80, s23, s21, $0xb8;
	[tilespmem:$0x17E00] =	vst v63  }
0x65: {  	_ =	swait.ge [sflag:s28], $0x4000  }
0x66: {  	s30 =	simm.s32 $0x20;
	[sflag:s28] =	ssyncset.done $0x0  }
.LBB2_4:
0x67: {  	p1 =	sne.s32 s30, $0x4E0  }
0x68: {  	[sflag:s28] =	ssyncadd.s32 $0xFFFFC000;
	s31 =	smov.u32 s30;
	s30 =	sadd.s32 $0x20, s30  }
0x69: {  	[tilespmem:s19], [sflag:$0x1] =	stream.indirect.gather [hbm4b:s1+s21], $0x80, s3, s21, $0xb8;
	[tilespmem:$0x17E00] =	vst v63  }
0x6a: {  	s0 =	sadd.s32 s31, s18  }
0x6b: {  	[tilespmem:s22], [sflag:$0x3] =	stream.linear.gather [hbm4b:s0+s3], $0x80, $0x38;
	[tilespmem:$0x17E00] =	vst v63  }
0x6c: {  	_ =	swait.ge [sflag:s20], $0x80  }
0x6d: {  	[sflag:s20] =	ssyncset.done $0x0  }
0x6e: {  	s0 =	sadd.s32 s31, s17;
	[sflag:s20] =	ssyncadd.s32 $0xFFFFFF80  }
0x6f: {  	[tilespmem:s23], [sflag:$0x3] =	stream.linear.gather [hbm4b:s0+s3], $0x80, $0x38;
	[tilespmem:$0x17E00] =	vst v63  }
0x70: {  	_ =	swait.ge [sflag:s20], $0x80  }
0x71: {  	[sflag:s20] =	ssyncset.done $0x0  }
0x72: {  	[sflag:s20] =	ssyncadd.s32 $0xFFFFFF80  }
0x73: {  	_ =	swait.ge [sflag:s26], $0x4000  }
0x74: {  	[sflag:s26] =	ssyncset.done $0x0  }
0x75: {  	[sflag:s26] =	ssyncadd.s32 $0xFFFFC000  }
0x76: {  	[spmem:s2] =	stream.indirect.scatter.add.f32 [tilespmem:s19], [sflag:$0x2], $0x80, s21, s21, $0xb8;
	[tilespmem:$0x17E00] =	vst v63  }
0x77: {  	_ =	swait.ge [sflag:s28], $0x4000  }
0x78: {  	[sflag:s28] =	ssyncset.done $0x0  }
0x79: {  	[sflag:s28] =	ssyncadd.s32 $0xFFFFC000  }
0x7a: {  	[tilespmem:s19], [sflag:$0x1] =	stream.indirect.gather [hbm4b:s1+s21], $0x80, s22, s21, $0xb8;
	[tilespmem:$0x17E00] =	vst v63  }
0x7b: {  	s0 =	sadd.s32 s31, s16  }
0x7c: {  	[tilespmem:s3], [sflag:$0x3] =	stream.linear.gather [hbm4b:s0+s3], $0x80, $0x38;
	[tilespmem:$0x17E00] =	vst v63  }
0x7d: {  	_ =	swait.ge [sflag:s20], $0x80  }
0x7e: {  	[sflag:s20] =	ssyncset.done $0x0  }
0x7f: {  	s0 =	sadd.s32 s31, s15;
	[sflag:s20] =	ssyncadd.s32 $0xFFFFFF80  }
0x80: {  	[tilespmem:s21], [sflag:$0x3] =	stream.linear.gather [hbm4b:s0+s3], $0x80, $0x38;
	[tilespmem:$0x17E00] =	vst v63  }
0x81: {  	_ =	swait.ge [sflag:s20], $0x80  }
0x82: {  	[sflag:s20] =	ssyncset.done $0x0  }
0x83: {  	[sflag:s20] =	ssyncadd.s32 $0xFFFFFF80  }
0x84: {  	_ =	swait.ge [sflag:s26], $0x4000  }
.Ltmp1:
0x85: {  	[sflag:s26] =	ssyncset.done $0x0;
	(pc) =	sbr.rel @p1 .LBB2_4-.Ltmp1, $4  }
0x86: {  	[sflag:s26] =	ssyncadd.s32 $0xFFFFC000  }
0x87: {  	[spmem:s2] =	stream.indirect.scatter.add.f32 [tilespmem:s19], [sflag:$0x2], $0x80, s23, s21, $0xb8;
	[tilespmem:$0x17E00] =	vst v63  }
0x88: {  	_ =	swait.ge [sflag:s28], $0x4000  }
0x89: {  	[sflag:s28] =	ssyncset.done $0x0  }
0x8a: {  	[sflag:s28] =	ssyncadd.s32 $0xFFFFC000;
	s0 =	sshll.u32 s4, $0x6  }
0x8b: {  	[bflag:$0x0] =	sbarrier.arrive $0xFFFF;
	s0 =	sor.u32 $0x1C03, s0  }
0x8c: {  	[hbm:s12], [sflag:s0] =	dma.local [spmem:s24], $0x2700  }
0x8d: {  	_ =	swait.ge [sflag:s20], $0x2700  }
0x8e: {  	s29 =	sadd.s32 $0x1, s29;
	[sflag:s20] =	ssyncset.done $0x0  }
0x8f: {  	p1 =	sne.s32 s29, s14;
	[sflag:s20] =	ssyncadd.s32 $0xFFFFD900  }
0x90: {  	[hbm:s13], [sflag:s0] =	dma.local @!p0 [spmem:s25], $0x100  }
.Ltmp2:
0x91: {  	_ = 	snop;
	(pc) =	sbr.rel @p1 .LBB2_1-.Ltmp2, $4  }
0x92: {  	s0 =	simm.s32 @!p0 $0x3  }
0x93: {  	_ =	swait.ge @!p0 [sflag:s0], $0x100  }
0x94: {  	[sflag:s0] =	ssyncset.done @!p0 $0x0  }
0x95: {  	[sflag:s0] =	ssyncadd.s32 @!p0 $0xFFFFFF00  }
0x96: {  	_ =	sfence.sel $0x180000  }
0x97: {  	[bflag:$0x0] =	sbarrier.arrive $0xFFFF  }
0x98: {  	_ =	strace $0x90000047  }
0x99: {  	[bflag:$0x2] =	sbarrier.arrive $0xFFFF  }
0x9a: {  	p0 =	sne.s32 s4, $0x0;
	s0 =	rddreg [dreg:$0x3]  }
0x9b: {  	s0 =	sadd.s32 @!p0 $0x100000, s0  }
0x9c: {  	[sflag:s0] =	ssyncadd.tile.s32 @!p0 $0x1;
	_ =	shalt  }
.Lfunc_end2:
_tile_overlayer_lowered:
.L_overlay_start_2:
0x9d: {  	(tag) =	ssettag $0x2  }
0x9e: {  	s0 =	rddreg [dreg:$0x0];
	s2 =	stileid.u32  }
0x9f: {  	s1 =	rddreg [dreg:$0x1];
	p0 =	sne.s32 s2, $0x0  }
0xa0: {  	s3 =	rddreg [dreg:$0x2];
	[bflag:$0x3] =	sbarrier.arrive $0xFFFF;
	s2 =	simm.s32 @!p0 $0x1C03  }
0xa1: {  	[timem:s3], [sflag:s2] =	dma.local @!p0 [hbm:s0], s1  }
0xa2: {  	s0 =	simm.s32 @!p0 $0x3  }
0xa3: {  	_ =	swait.ge @!p0 [sflag:s0], s1  }
0xa4: {  	s1 =	ssub.s32 @!p0 $0x0, s1;
	[sflag:s0] =	ssyncset.done @!p0 $0x0  }
0xa5: {  	[sflag:s0] =	ssyncadd.s32 @!p0 s1  }
0xa6: {  	[bflag:$0x3] =	sbarrier.arrive $0xFFFF  }
0xa7: {  	_ =	shalt  }

</sc_bundles>
